<compile_context>
chip_gen: v7x
topology: tpu7x:2x2x1
jax: 0.10.2.dev20260603
libtpu: 0.0.44.dev20260713+nightly
codegen_flags: <defaults>
</compile_context>

<pallas_src>
import jax
import jax.numpy as jnp
from jax import lax
from jax.experimental import pallas as pl
from jax.experimental.pallas import tpu as pltpu
from jax.experimental.pallas import tpu_sc as plsc

N = 10000
E = 160000
D = 128
H = 128

NC = 2
NS = 16
NW = NC * NS

BLK = 128
NP = 10112
RPT = NP // NS
NH = 10240
BR = 1024
NBB = NH // BR
EP = 163840
ER = EP // BLK
ERW = ER // NW


def _mesh():
    return plsc.VectorSubcoreMesh(
        core_axis_name="c", subcore_axis_name="s", num_cores=NC, num_subcores=NS)


DP = 10240


def _deg_body(dst_hbm, out_hbm, dst_v, degp):
    c = lax.axis_index("c")
    s = lax.axis_index("s")
    wid = s * NC + c
    zer = jnp.zeros((16,), jnp.float32)
    one = jnp.full((16,), 1.0, jnp.float32)

    def zfill(i, carry):
        degp[pl.ds(i * 16, 16)] = zer
        return carry
    lax.fori_loop(0, DP // 16, zfill, 0)
    pltpu.sync_copy(dst_hbm.at[pl.ds(wid * ERW, ERW), :], dst_v)

    def body(i, carry):
        j = i // 8
        k = (i % 8) * 16
        d = dst_v[j, pl.ds(k, 16)]
        plsc.addupdate_scatter(degp, [d], one)
        return carry
    lax.fori_loop(0, ERW * 8, body, 0)
    pltpu.sync_copy(degp, out_hbm.at[pl.ds(wid * DP, DP)])


def _deg_call(dst2d):
    fn = pl.kernel(
        _deg_body,
        out_type=jax.ShapeDtypeStruct((NW * DP,), jnp.float32),
        mesh=_mesh(),
        compiler_params=pltpu.CompilerParams(needs_layout_passes=False),
        scratch_types=[
            pltpu.VMEM((ERW, BLK), jnp.int32),
            pltpu.VMEM((DP,), jnp.float32),
        ],
    )
    return fn(dst2d)


K0 = 64
K1 = ER // NS - K0


def _agg_body(hs_hbm, hs2_hbm, src_hbm, dst_hbm, out_hbm, src_v, dst_r,
              buf_a, buf_b, agg_sh, sem):
    c = lax.axis_index("c")
    s = lax.axis_index("s")
    zer = jnp.zeros((16,), jnp.float32)

    def zfill(i, carry):
        r = i // 8
        k = (i % 8) * 16
        buf_a[r, pl.ds(k, 16)] = zer
        return carry
    lax.fori_loop(0, BLK * 8, zfill, 0)

    r0 = s * RPT
    for k in range(RPT // BLK):
        pltpu.sync_copy(buf_a, agg_sh.at[pl.ds(r0 + k * BLK, BLK), :])
    rem = RPT % BLK
    if rem:
        pltpu.sync_copy(buf_a.at[pl.ds(0, rem), :],
                        agg_sh.at[pl.ds(r0 + (RPT // BLK) * BLK, rem), :])

    def run_edges(h_hbm, K, base):
        pltpu.sync_copy(src_hbm.at[pl.ds(base, K), :], src_v.at[pl.ds(0, K), :])
        pltpu.sync_copy(dst_hbm.at[pl.ds(base, K), :], dst_r.at[pl.ds(0, K), :])
        pltpu.async_copy(h_hbm.at[src_v.at[0]], buf_a, sem)

        def body(t, carry):
            j0 = 2 * t
            j1 = j0 + 1
            pltpu.make_async_copy(h_hbm.at[src_v.at[j0]], buf_a, sem).wait()
            pltpu.async_copy(h_hbm.at[src_v.at[j1]], buf_b, sem)
            pltpu.sync_copy(buf_a, agg_sh.at[dst_r.at[j0]], add=True)
            pltpu.make_async_copy(h_hbm.at[src_v.at[j1]], buf_b, sem).wait()

            @pl.when(j1 + 1 < K)
            def _():
                pltpu.async_copy(h_hbm.at[src_v.at[j1 + 1]], buf_a, sem)
            pltpu.sync_copy(buf_b, agg_sh.at[dst_r.at[j1]], add=True)
            return carry
        lax.fori_loop(0, K // 2, body, 0)

    @pl.when(c == 0)
    def _():
        run_edges(hs_hbm, K0, s * K0)

    if K1 > 0:
        @pl.when(c == 1)
        def _():
            run_edges(hs2_hbm, K1, NS * K0 + s * K1)
    plsc.subcore_barrier()
    for k in range(RPT // BLK):
        pltpu.sync_copy(agg_sh.at[pl.ds(r0 + k * BLK, BLK), :],
                        out_hbm.at[pl.ds(c * NH + r0 + k * BLK, BLK), :])
    if rem:
        pltpu.sync_copy(agg_sh.at[pl.ds(r0 + (RPT // BLK) * BLK, rem), :],
                        out_hbm.at[pl.ds(c * NH + r0 + (RPT // BLK) * BLK, rem), :])


def _agg_call(hs, hs2, src2d, dst2d):
    fn = pl.kernel(
        _agg_body,
        out_type=jax.ShapeDtypeStruct((NC * NH, D), jnp.float32),
        mesh=_mesh(),
        scratch_types=[
            pltpu.VMEM((K0, BLK), jnp.int32),
            pltpu.VMEM((K0, BLK), jnp.int32),
            pltpu.VMEM((BLK, D), jnp.float32),
            pltpu.VMEM((BLK, D), jnp.float32),
            pltpu.VMEM_SHARED((NP, D), jnp.float32),
            pltpu.SemaphoreType.DMA,
        ],
    )
    return fn(hs, hs2, src2d, dst2d)


def _h_body(x_ref, w_ref, h_ref):
    h_ref[...] = jnp.dot(x_ref[...], w_ref[...],
                         preferred_element_type=jnp.float32)


def _h_call(x, w_conv2):
    return pl.pallas_call(
        _h_body,
        grid=(NBB,),
        in_specs=[
            pl.BlockSpec((BR, D), lambda i: (i, 0)),
            pl.BlockSpec((D, D), lambda i: (0, 0)),
        ],
        out_specs=pl.BlockSpec((BR, D), lambda i: (i, 0)),
        out_shape=jax.ShapeDtypeStruct((NH, D), jnp.float32),
    )(x, w_conv2)


def _hs_body(h_ref, deg_ref, hs_ref, hs2_ref, dinv_ref):
    i = pl.program_id(0)
    deg_row = jnp.sum(deg_ref[...], axis=0, keepdims=True) + 1.0
    eye = (lax.broadcasted_iota(jnp.int32, (BLK, BLK), 0)
           == lax.broadcasted_iota(jnp.int32, (BLK, BLK), 1)
           ).astype(jnp.float32)
    dn = (((1,), (1,)), ((), ()))
    cols = [lax.dot_general(eye, deg_row[:, p * BLK:(p + 1) * BLK], dn,
                            preferred_element_type=jnp.float32)
            for p in range(BR // BLK)]
    deg_col = jnp.concatenate(cols, axis=0)
    dinv = lax.rsqrt(deg_col)
    rows = i * BR + lax.broadcasted_iota(jnp.int32, (BR, 1), 0)
    valid = rows < N
    dinv = jnp.where(valid, dinv, 1.0)
    hs = jnp.where(valid, h_ref[...] * dinv, 0.0)
    hs_ref[...] = hs
    hs2_ref[...] = hs
    dinv_ref[...] = dinv


def _hs_call(h, deg_all):
    return pl.pallas_call(
        _hs_body,
        grid=(NBB,),
        in_specs=[
            pl.BlockSpec((BR, D), lambda i: (i, 0)),
            pl.BlockSpec((NW, BR), lambda i: (0, i)),
        ],
        out_specs=[
            pl.BlockSpec((BR, D), lambda i: (i, 0)),
            pl.BlockSpec((BR, D), lambda i: (i, 0)),
            pl.BlockSpec((BR, 1), lambda i: (i, 0)),
        ],
        out_shape=[
            jax.ShapeDtypeStruct((NH, D), jnp.float32),
            jax.ShapeDtypeStruct((NH, D), jnp.float32),
            jax.ShapeDtypeStruct((NH, 1), jnp.float32),
        ],
    )(h, deg_all)


def _neq_body(tgt_ref, agga_ref, aggb_ref, hs_ref, dinv_ref, bc_ref, wl_ref,
              bl_ref, wm_ref, bm_ref, wo_ref, bo_ref, q_ref, ne_s, gs_s):
    i = pl.program_id(0)
    blk = i % NBB

    @pl.when(i == 0)
    def _():
        gs_s[...] = jnp.zeros_like(gs_s)

    @pl.when(i < NBB)
    def _():
        agg = agga_ref[...] + aggb_ref[...] + hs_ref[...]
        conv = jnp.maximum(agg * dinv_ref[...] + bc_ref[...], 0.0)
        ne = jnp.dot(conv, wl_ref[...], preferred_element_type=jnp.float32)
        ne = jnp.maximum(ne + bl_ref[...], 0.0)
        rows = blk * BR + lax.broadcasted_iota(jnp.int32, (BR, 1), 0)
        ne = jnp.where(rows < N, ne, 0.0)
        ne_s[pl.ds(blk * BR, BR), :] = ne
        gs_s[...] += jnp.sum(ne, axis=0, keepdims=True)

    @pl.when(i >= NBB)
    def _():
        g = gs_s[...] * (1.0 / N)
        wm = wm_ref[...]
        bias = jnp.dot(g, wm[D:, :], preferred_element_type=jnp.float32)
        bias = bias + bm_ref[...]
        t = ne_s[pl.ds(tgt_ref[0], 1), :]
        dn = (((1,), (1,)), ((), ()))
        v = lax.dot_general(wo_ref[...], t, dn,
                            preferred_element_type=jnp.float32)
        cc = lax.dot_general(bo_ref[...], t, dn,
                             preferred_element_type=jnp.float32)
        ne = ne_s[pl.ds(blk * BR, BR), :]
        hid = jnp.dot(ne, wm[:D, :], preferred_element_type=jnp.float32)
        hid = jnp.maximum(hid + bias, 0.0)
        q_ref[...] = jnp.dot(hid, v, preferred_element_type=jnp.float32) + cc


def _neq_call(target_node, agg2, hs, dinv, b_conv2, w_lin1, b_lin1, w_mlp,
              b_mlp, w_out, b_out):
    z = lambda i: (0, 0)
    blk_d = lambda i: (i % NBB, 0)
    return pl.pallas_call(
        _neq_body,
        grid=(2 * NBB,),
        in_specs=[
            pl.BlockSpec(memory_space=pltpu.SMEM),
            pl.BlockSpec((BR, D), blk_d),
            pl.BlockSpec((BR, D), lambda i: (i % NBB + NBB, 0)),
            pl.BlockSpec((BR, D), blk_d),
            pl.BlockSpec((BR, 1), blk_d),
            pl.BlockSpec((1, D), z),
            pl.BlockSpec((D, D), z),
            pl.BlockSpec((1, D), z),
            pl.BlockSpec((2 * D, H), z),
            pl.BlockSpec((1, H), z),
            pl.BlockSpec((H, D), z),
            pl.BlockSpec((1, D), z),
        ],
        out_specs=pl.BlockSpec((BR, 1),
                               lambda i: (jnp.where(i < NBB, 0, i - NBB), 0)),
        out_shape=jax.ShapeDtypeStruct((N, 1), jnp.float32),
        scratch_shapes=[
            pltpu.VMEM((NH, D), jnp.float32),
            pltpu.VMEM((1, D), jnp.float32),
        ],
    )(target_node, agg2, agg2, hs, dinv, b_conv2.reshape(1, D), w_lin1,
      b_lin1.reshape(1, D), w_mlp, b_mlp.reshape(1, H), w_out,
      b_out.reshape(1, D))


def kernel(x, edge_index, target_node, W_conv2, b_conv2, W_lin1, b_lin1,
           W_mlp, b_mlp, W_out, b_out):
    src2d = jnp.pad(edge_index[0], (0, EP - E),
                    constant_values=N).reshape(ER, BLK)
    dst2d = jnp.pad(edge_index[1], (0, EP - E),
                    constant_values=N).reshape(ER, BLK)
    tgt = jnp.asarray(target_node, jnp.int32).reshape(1)

    degr = _deg_call(dst2d)
    deg_all = degr.reshape(NW, DP)
    h = _h_call(x, W_conv2)
    hs, hs2, dinv = _hs_call(h, deg_all)
    agg2 = _agg_call(hs, hs2, src2d, dst2d)
    return _neq_call(tgt, agg2, hs, dinv, b_conv2, W_lin1, b_lin1,
                     W_mlp, b_mlp, W_out, b_out)

# --- scband reference (transcript-rebuilt; emitter-appended) ---
"""Pipeline reference for scband-qnet-node-16724602651190 (READ-ONLY COPY).

The authoritative reference and input builder live on the scoring server;
editing this copy changes nothing except your own understanding.
"""

import jax, jax.numpy as jnp
import numpy as np

N = 10000
E = 160000
D = 128
H = 128


def gcn_conv(x, edge_index, W, b):
    n = x.shape[0]
    src = edge_index[0]
    dst = edge_index[1]
    loop = jnp.arange(n, dtype=src.dtype)
    src = jnp.concatenate([src, loop])
    dst = jnp.concatenate([dst, loop])
    deg = jnp.zeros((n,), x.dtype).at[dst].add(1.0)
    dinv = jnp.where(deg > 0, 1.0 / jnp.sqrt(jnp.maximum(deg, 1e-12)), 0.0)
    norm = dinv[src] * dinv[dst]
    h = x @ W
    msgs = h[src] * norm[:, None]
    out = jnp.zeros_like(h).at[dst].add(msgs)
    return out + b


def setup_inputs(seed: int = 0):
    key = jax.random.key(seed)
    ks = jax.random.split(key, 10)
    s = 1.0 / np.sqrt(D)
    return {
        "x": jax.random.normal(ks[0], (N, D), dtype=jnp.float32),
        "edge_index": jax.random.randint(ks[1], (2, E), 0, N, dtype=jnp.int32),
        "target_node": 5,
        "W_conv2": jax.random.normal(ks[2], (D, D), dtype=jnp.float32) * s,
        "b_conv2": jnp.zeros((D,), jnp.float32),
        "W_lin1": jax.random.normal(ks[3], (D, D), dtype=jnp.float32) * s,
        "b_lin1": jnp.zeros((D,), jnp.float32),
        "W_mlp": jax.random.normal(ks[4], (2 * D, H), dtype=jnp.float32) * (1.0 / np.sqrt(2 * D)),
        "b_mlp": jnp.zeros((H,), jnp.float32),
        "W_out": jax.random.normal(ks[5], (H, D), dtype=jnp.float32) * (1.0 / np.sqrt(H)),
        "b_out": jnp.zeros((D,), jnp.float32),
    }


def reference(x, edge_index, target_node, W_conv2, b_conv2, W_lin1, b_lin1, W_mlp, b_mlp, W_out, b_out):
    # GCNConv(embed_dim, embed_dim) on perturbed edges, then ReLU
    node_embed = jax.nn.relu(gcn_conv(x, edge_index, W_conv2, b_conv2))
    # self.lin1: Linear(128,128) + ReLU
    node_embed = jax.nn.relu(node_embed @ W_lin1 + b_lin1)
    # target_embed = node_embed[target].view(-1, 1)
    target_embed = node_embed[target_node].reshape(-1, 1)
    # region is None -> all nodes; graph_embed = mean, repeated (actions is None)
    graph_embed = jnp.mean(node_embed, axis=0, keepdims=True)
    graph_embed = jnp.broadcast_to(graph_embed, (node_embed.shape[0], graph_embed.shape[1]))
    embed_s_a = jnp.concatenate([node_embed, graph_embed], axis=1)
    # mlp_hidden path
    h = jax.nn.relu(embed_s_a @ W_mlp + b_mlp)
    raw_pred = h @ W_out + b_out
    # bilin_q: raw_pred @ target_embed -> per-node Q values [N, 1]
    q = raw_pred @ target_embed
    return q

if __name__ == "__main__":
    import jax
    _d = setup_inputs()
    print(jax.jit(kernel)(*tuple(_d.values())))

</pallas_src>

<mosaic_0001>
#map = affine_map<(d0, d1) -> (0, 0)>
#map1 = affine_map<(d0, d1) -> (0)>
module attributes {stable_mosaic.version = 14 : i64} {
  func.func @_deg_body(%arg0: i32, %arg1: i32, %arg2: memref<1280x128xi32, #tpu.memory_space<hbm>>, %arg3: memref<327680xf32, #tpu.memory_space<hbm>>, %arg4: memref<40x128xi32, #tpu.memory_space<vmem>>, %arg5: memref<10240xf32, #tpu.memory_space<vmem>>) attributes {dimension_semantics = [#tpu.dimension_semantics<core_parallel>, #tpu.dimension_semantics<subcore_parallel>], iteration_bounds = array<i64: 2, 16>, scalar_prefetch = 0 : i64, scratch_operands = 2 : i64, tpu.core_type = #tpu.core_type<sc_vector_subcore>, window_params = [{transform_indices = #map}, {transform_indices = #map1}]} {
    %mul3A = arith.constant 2 : i32
    %mul3A_0 = arith.muli %arg1, %mul3A : i32
    %add3A = arith.addi %mul3A_0, %arg0 : i32
    %broadcast_in_dim3A = arith.constant 0.000000e+00 : f32
    %broadcast_in_dim3A_1 = vector.broadcast %broadcast_in_dim3A : f32 to vector<16xf32>
    %broadcast_in_dim3A_2 = arith.constant 1.000000e+00 : f32
    %broadcast_in_dim3A_3 = vector.broadcast %broadcast_in_dim3A_2 : f32 to vector<16xf32>
    %scan3A = arith.constant 0 : i32
    %scan3A_4 = arith.constant 0 : i32
    %scan3A_5 = arith.constant 640 : i32
    %scan3A_6 = arith.addi %scan3A_4, %scan3A_5 : i32
    %scan3A_7 = arith.constant 1 : i32
    scf.for %scan3A_19 = %scan3A_4 to %scan3A_6 step %scan3A_7  : i32 {
      %mul3A_20 = arith.constant 16 : i32
      %mul3A_21 = arith.muli %scan3A_19, %mul3A_20 : i32
      %swap3A = arith.index_cast %mul3A_21 : i32 to index
      %swap3A_22 = tpu.vector_load %arg5[%swap3A] {strides = array<i32>} : memref<10240xf32, #tpu.memory_space<vmem>>, vector<16xf32>,
      tpu.vector_store %arg5[%swap3A], %broadcast_in_dim3A_1 {strides = array<i32>} : memref<10240xf32, #tpu.memory_space<vmem>>, vector<16xf32>,
    }
    %scan3A_8 = arith.constant 640 : i32
    %mul3A_9 = arith.constant 40 : i32
    %mul3A_10 = arith.muli %add3A, %mul3A_9 : i32
    "tpu.region"() ({
      %run_scoped3A = tpu.sem_alloc : memref<!tpu.dma_semaphore, #tpu.memory_space<semaphore_mem>>
      %dma_start3A = arith.constant 0 : i32
      %dma_start3A_19 = tpu.memref_slice %arg2[%mul3A_10, %dma_start3A] : memref<1280x128xi32, #tpu.memory_space<hbm>> -> memref<40x128xi32, #tpu.memory_space<hbm>>
      %dma_start3A_20 = arith.constant 0 : i32
      %dma_start3A_21 = tpu.memref_slice %arg2[%mul3A_10, %dma_start3A_20] : memref<1280x128xi32, #tpu.memory_space<hbm>> -> memref<40x128xi32, #tpu.memory_space<hbm>>
      tpu.enqueue_dma source(%dma_start3A_21 : memref<40x128xi32, #tpu.memory_space<hbm>>) target(%arg4 : memref<40x128xi32, #tpu.memory_space<vmem>>) target_semaphore(%run_scoped3A : memref<!tpu.dma_semaphore, #tpu.memory_space<semaphore_mem>>)
      %dma_wait3A = arith.constant 0 : i32
      %dma_wait3A_22 = tpu.memref_slice %arg2[%mul3A_10, %dma_wait3A] : memref<1280x128xi32, #tpu.memory_space<hbm>> -> memref<40x128xi32, #tpu.memory_space<hbm>>
      %dma_wait3A_23 = arith.constant 0 : i32
      %dma_wait3A_24 = tpu.memref_slice %arg2[%mul3A_10, %dma_wait3A_23] : memref<1280x128xi32, #tpu.memory_space<hbm>> -> memref<40x128xi32, #tpu.memory_space<hbm>>
      tpu.wait_dma2 semaphore(%run_scoped3A : memref<!tpu.dma_semaphore, #tpu.memory_space<semaphore_mem>>) src(%dma_wait3A_24 : memref<40x128xi32, #tpu.memory_space<hbm>>) dst(%arg4 : memref<40x128xi32, #tpu.memory_space<vmem>>)
      tpu.yield
    }) : () -> ()
    %scan3A_11 = arith.constant 0 : i32
    %scan3A_12 = arith.constant 0 : i32
    %scan3A_13 = arith.constant 320 : i32
    %scan3A_14 = arith.addi %scan3A_12, %scan3A_13 : i32
    %scan3A_15 = arith.constant 1 : i32
    scf.for %scan3A_19 = %scan3A_12 to %scan3A_14 step %scan3A_15  : i32 {
      %jit3A = arith.constant 8 : i32
      %div3A = arith.divsi %scan3A_19, %jit3A : i32
      %sign3A = arith.constant 0 : i32
      %sign3A_20 = arith.cmpi sgt, %scan3A_19, %sign3A : i32
      %sign3A_21 = arith.extui %sign3A_20 : i1 to i32
      %sign3A_22 = arith.constant 0 : i32
      %sign3A_23 = arith.cmpi slt, %scan3A_19, %sign3A_22 : i32
      %sign3A_24 = arith.extui %sign3A_23 : i1 to i32
      %sign3A_25 = arith.subi %sign3A_21, %sign3A_24 : i32
      %sign3A_26 = arith.constant 0 : i32
      %sign3A_27 = arith.cmpi sgt, %jit3A, %sign3A_26 : i32
      %sign3A_28 = arith.extui %sign3A_27 : i1 to i32
      %sign3A_29 = arith.constant 0 : i32
      %sign3A_30 = arith.cmpi slt, %jit3A, %sign3A_29 : i32
      %sign3A_31 = arith.extui %sign3A_30 : i1 to i32
      %sign3A_32 = arith.subi %sign3A_28, %sign3A_31 : i32
      %ne3A = arith.cmpi ne, %sign3A_25, %sign3A_32 : i32
      %rem3A = arith.remsi %scan3A_19, %jit3A : i32
      %ne3A_33 = arith.constant 0 : i32
      %ne3A_34 = arith.cmpi ne, %rem3A, %ne3A_33 : i32
      %and3A = arith.andi %ne3A, %ne3A_34 : i1
      %sub3A = arith.constant 1 : i32
      %sub3A_35 = arith.subi %div3A, %sub3A : i32
      %select_n3A = arith.select %and3A, %sub3A_35, %div3A : i32
      %jit3A_36 = arith.constant 8 : i32
      %eq3A = arith.constant 0 : i32
      %eq3A_37 = arith.cmpi eq, %jit3A_36, %eq3A : i32
      %jit3A_38 = arith.constant 1 : i32
      %select_n3A_39 = arith.select %eq3A_37, %jit3A_38, %jit3A_36 : i32
      %rem3A_40 = arith.remsi %scan3A_19, %select_n3A_39 : i32
      %ne3A_41 = arith.constant 0 : i32
      %ne3A_42 = arith.cmpi ne, %rem3A_40, %ne3A_41 : i32
      %lt3A = arith.constant 0 : i32
      %lt3A_43 = arith.cmpi slt, %rem3A_40, %lt3A : i32
      %lt3A_44 = arith.constant 0 : i32
      %lt3A_45 = arith.cmpi slt, %select_n3A_39, %lt3A_44 : i32
      %ne3A_46 = arith.xori %lt3A_43, %lt3A_45 : i1
      %and3A_47 = arith.andi %ne3A_46, %ne3A_42 : i1
      %add3A_48 = arith.addi %rem3A_40, %select_n3A_39 : i32
      %select_n3A_49 = arith.select %and3A_47, %add3A_48, %rem3A_40 : i32
      %mul3A_50 = arith.constant 16 : i32
      %mul3A_51 = arith.muli %select_n3A_49, %mul3A_50 : i32
      %get3A = arith.index_cast %select_n3A : i32 to index
      %get3A_52 = arith.index_cast %mul3A_51 : i32 to index
      %get3A_53 = tpu.vector_load %arg4[%get3A, %get3A_52] {strides = array<i32>} : memref<40x128xi32, #tpu.memory_space<vmem>>, vector<16xi32>,
      tpu.vector_store_idx %arg5[%get3A_53], %broadcast_in_dim3A_3 {add = true} : memref<10240xf32, #tpu.memory_space<vmem>>[vector<16xi32>], vector<16xf32>,
    }
    %scan3A_16 = arith.constant 320 : i32
    %mul3A_17 = arith.constant 10240 : i32
    %mul3A_18 = arith.muli %add3A, %mul3A_17 : i32
    "tpu.region"() ({
      %run_scoped3A = tpu.sem_alloc : memref<!tpu.dma_semaphore, #tpu.memory_space<semaphore_mem>>
      %dma_start3A = tpu.memref_slice %arg3[%mul3A_18] : memref<327680xf32, #tpu.memory_space<hbm>> -> memref<10240xf32, #tpu.memory_space<hbm>>
      %dma_start3A_19 = tpu.memref_slice %arg3[%mul3A_18] : memref<327680xf32, #tpu.memory_space<hbm>> -> memref<10240xf32, #tpu.memory_space<hbm>>
      tpu.enqueue_dma source(%arg5 : memref<10240xf32, #tpu.memory_space<vmem>>) target(%dma_start3A_19 : memref<10240xf32, #tpu.memory_space<hbm>>) target_semaphore(%run_scoped3A : memref<!tpu.dma_semaphore, #tpu.memory_space<semaphore_mem>>)
      %dma_wait3A = tpu.memref_slice %arg3[%mul3A_18] : memref<327680xf32, #tpu.memory_space<hbm>> -> memref<10240xf32, #tpu.memory_space<hbm>>
      %dma_wait3A_20 = tpu.memref_slice %arg3[%mul3A_18] : memref<327680xf32, #tpu.memory_space<hbm>> -> memref<10240xf32, #tpu.memory_space<hbm>>
      tpu.wait_dma2 semaphore(%run_scoped3A : memref<!tpu.dma_semaphore, #tpu.memory_space<semaphore_mem>>) src(%arg5 : memref<10240xf32, #tpu.memory_space<vmem>>) dst(%dma_wait3A_20 : memref<10240xf32, #tpu.memory_space<hbm>>)
      tpu.yield
    }) : () -> ()
    return
  }
}

#map = affine_map<(d0, d1) -> (0, 0)>
module attributes {stable_mosaic.version = 14 : i64} {
  func.func @_agg_body(%arg0: i32, %arg1: i32, %arg2: memref<10240x128xf32, #tpu.memory_space<hbm>>, %arg3: memref<10240x128xf32, #tpu.memory_space<hbm>>, %arg4: memref<1280x128xi32, #tpu.memory_space<hbm>>, %arg5: memref<1280x128xi32, #tpu.memory_space<hbm>>, %arg6: memref<20480x128xf32, #tpu.memory_space<hbm>>, %arg7: memref<64x128xi32, #tpu.memory_space<vmem>>, %arg8: memref<64x128xi32, #tpu.memory_space<vmem>>, %arg9: memref<128x128xf32, #tpu.memory_space<vmem>>, %arg10: memref<128x128xf32, #tpu.memory_space<vmem>>, %arg11: memref<10112x128xf32, #tpu.memory_space<vmem_shared>>, %arg12: memref<!tpu.dma_semaphore, #tpu.memory_space<semaphore_mem>>) attributes {dimension_semantics = [#tpu.dimension_semantics<core_parallel>, #tpu.dimension_semantics<subcore_parallel>], iteration_bounds = array<i64: 2, 16>, scalar_prefetch = 0 : i64, scratch_operands = 6 : i64, tpu.core_type = #tpu.core_type<sc_vector_subcore>, window_params = [{transform_indices = #map}, {transform_indices = #map}, {transform_indices = #map}, {transform_indices = #map}, {transform_indices = #map}]} {
    %broadcast_in_dim3A = arith.constant 0.000000e+00 : f32
    %broadcast_in_dim3A_0 = vector.broadcast %broadcast_in_dim3A : f32 to vector<16xf32>
    %scan3A = arith.constant 0 : i32
    %scan3A_1 = arith.constant 0 : i32
    %scan3A_2 = arith.constant 1024 : i32
    %scan3A_3 = arith.addi %scan3A_1, %scan3A_2 : i32
    %scan3A_4 = arith.constant 1 : i32
    scf.for %scan3A_58 = %scan3A_1 to %scan3A_3 step %scan3A_4  : i32 {
      %jit3A = arith.constant 8 : i32
      %div3A = arith.divsi %scan3A_58, %jit3A : i32
      %sign3A = arith.constant 0 : i32
      %sign3A_59 = arith.cmpi sgt, %scan3A_58, %sign3A : i32
      %sign3A_60 = arith.extui %sign3A_59 : i1 to i32
      %sign3A_61 = arith.constant 0 : i32
      %sign3A_62 = arith.cmpi slt, %scan3A_58, %sign3A_61 : i32
      %sign3A_63 = arith.extui %sign3A_62 : i1 to i32
      %sign3A_64 = arith.subi %sign3A_60, %sign3A_63 : i32
      %sign3A_65 = arith.constant 0 : i32
      %sign3A_66 = arith.cmpi sgt, %jit3A, %sign3A_65 : i32
      %sign3A_67 = arith.extui %sign3A_66 : i1 to i32
      %sign3A_68 = arith.constant 0 : i32
      %sign3A_69 = arith.cmpi slt, %jit3A, %sign3A_68 : i32
      %sign3A_70 = arith.extui %sign3A_69 : i1 to i32
      %sign3A_71 = arith.subi %sign3A_67, %sign3A_70 : i32
      %ne3A = arith.cmpi ne, %sign3A_64, %sign3A_71 : i32
      %rem3A = arith.remsi %scan3A_58, %jit3A : i32
      %ne3A_72 = arith.constant 0 : i32
      %ne3A_73 = arith.cmpi ne, %rem3A, %ne3A_72 : i32
      %and3A = arith.andi %ne3A, %ne3A_73 : i1
      %sub3A = arith.constant 1 : i32
      %sub3A_74 = arith.subi %div3A, %sub3A : i32
      %select_n3A = arith.select %and3A, %sub3A_74, %div3A : i32
      %jit3A_75 = arith.constant 8 : i32
      %eq3A_76 = arith.constant 0 : i32
      %eq3A_77 = arith.cmpi eq, %jit3A_75, %eq3A_76 : i32
      %jit3A_78 = arith.constant 1 : i32
      %select_n3A_79 = arith.select %eq3A_77, %jit3A_78, %jit3A_75 : i32
      %rem3A_80 = arith.remsi %scan3A_58, %select_n3A_79 : i32
      %ne3A_81 = arith.constant 0 : i32
      %ne3A_82 = arith.cmpi ne, %rem3A_80, %ne3A_81 : i32
      %lt3A = arith.constant 0 : i32
      %lt3A_83 = arith.cmpi slt, %rem3A_80, %lt3A : i32
      %lt3A_84 = arith.constant 0 : i32
      %lt3A_85 = arith.cmpi slt, %select_n3A_79, %lt3A_84 : i32
      %ne3A_86 = arith.xori %lt3A_83, %lt3A_85 : i1
      %and3A_87 = arith.andi %ne3A_86, %ne3A_82 : i1
      %add3A_88 = arith.addi %rem3A_80, %select_n3A_79 : i32
      %select_n3A_89 = arith.select %and3A_87, %add3A_88, %rem3A_80 : i32
      %mul3A_90 = arith.constant 16 : i32
      %mul3A_91 = arith.muli %select_n3A_89, %mul3A_90 : i32
      %swap3A = arith.index_cast %select_n3A : i32 to index
      %swap3A_92 = arith.index_cast %mul3A_91 : i32 to index
      %swap3A_93 = tpu.vector_load %arg9[%swap3A, %swap3A_92] {strides = array<i32>} : memref<128x128xf32, #tpu.memory_space<vmem>>, vector<1x16xf32>,
      %swap3A_94 = vector.shape_cast %swap3A_93 : vector<1x16xf32> to vector<16xf32>
      %swap3A_95 = vector.shape_cast %broadcast_in_dim3A_0 : vector<16xf32> to vector<1x16xf32>
      tpu.vector_store %arg9[%swap3A, %swap3A_92], %swap3A_95 {strides = array<i32>} : memref<128x128xf32, #tpu.memory_space<vmem>>, vector<1x16xf32>,
    }
    %scan3A_5 = arith.constant 1024 : i32
    %mul3A = arith.constant 632 : i32
    %mul3A_6 = arith.muli %arg1, %mul3A : i32
    %add3A = arith.constant 0 : i32
    %add3A_7 = arith.addi %mul3A_6, %add3A : i32
    "tpu.region"() ({
      %run_scoped3A = tpu.sem_alloc : memref<!tpu.dma_semaphore, #tpu.memory_space<semaphore_mem>>
      %dma_start3A = arith.constant 0 : i32
      %dma_start3A_58 = tpu.memref_slice %arg11[%add3A_7, %dma_start3A] : memref<10112x128xf32, #tpu.memory_space<vmem_shared>> -> memref<128x128xf32, #tpu.memory_space<vmem_shared>>
      %dma_start3A_59 = arith.constant 0 : i32
      %dma_start3A_60 = tpu.memref_slice %arg11[%add3A_7, %dma_start3A_59] : memref<10112x128xf32, #tpu.memory_space<vmem_shared>> -> memref<128x128xf32, #tpu.memory_space<vmem_shared>>
      tpu.enqueue_dma source(%arg9 : memref<128x128xf32, #tpu.memory_space<vmem>>) target(%dma_start3A_60 : memref<128x128xf32, #tpu.memory_space<vmem_shared>>) target_semaphore(%run_scoped3A : memref<!tpu.dma_semaphore, #tpu.memory_space<semaphore_mem>>)
      %dma_wait3A = arith.constant 0 : i32
      %dma_wait3A_61 = tpu.memref_slice %arg11[%add3A_7, %dma_wait3A] : memref<10112x128xf32, #tpu.memory_space<vmem_shared>> -> memref<128x128xf32, #tpu.memory_space<vmem_shared>>
      %dma_wait3A_62 = arith.constant 0 : i32
      %dma_wait3A_63 = tpu.memref_slice %arg11[%add3A_7, %dma_wait3A_62] : memref<10112x128xf32, #tpu.memory_space<vmem_shared>> -> memref<128x128xf32, #tpu.memory_space<vmem_shared>>
      tpu.wait_dma2 semaphore(%run_scoped3A : memref<!tpu.dma_semaphore, #tpu.memory_space<semaphore_mem>>) src(%arg9 : memref<128x128xf32, #tpu.memory_space<vmem>>) dst(%dma_wait3A_63 : memref<128x128xf32, #tpu.memory_space<vmem_shared>>)
      tpu.yield
    }) : () -> ()
    %add3A_8 = arith.constant 128 : i32
    %add3A_9 = arith.addi %mul3A_6, %add3A_8 : i32
    "tpu.region"() ({
      %run_scoped3A = tpu.sem_alloc : memref<!tpu.dma_semaphore, #tpu.memory_space<semaphore_mem>>
      %dma_start3A = arith.constant 0 : i32
      %dma_start3A_58 = tpu.memref_slice %arg11[%add3A_9, %dma_start3A] : memref<10112x128xf32, #tpu.memory_space<vmem_shared>> -> memref<128x128xf32, #tpu.memory_space<vmem_shared>>
      %dma_start3A_59 = arith.constant 0 : i32
      %dma_start3A_60 = tpu.memref_slice %arg11[%add3A_9, %dma_start3A_59] : memref<10112x128xf32, #tpu.memory_space<vmem_shared>> -> memref<128x128xf32, #tpu.memory_space<vmem_shared>>
      tpu.enqueue_dma source(%arg9 : memref<128x128xf32, #tpu.memory_space<vmem>>) target(%dma_start3A_60 : memref<128x128xf32, #tpu.memory_space<vmem_shared>>) target_semaphore(%run_scoped3A : memref<!tpu.dma_semaphore, #tpu.memory_space<semaphore_mem>>)
      %dma_wait3A = arith.constant 0 : i32
      %dma_wait3A_61 = tpu.memref_slice %arg11[%add3A_9, %dma_wait3A] : memref<10112x128xf32, #tpu.memory_space<vmem_shared>> -> memref<128x128xf32, #tpu.memory_space<vmem_shared>>
      %dma_wait3A_62 = arith.constant 0 : i32
      %dma_wait3A_63 = tpu.memref_slice %arg11[%add3A_9, %dma_wait3A_62] : memref<10112x128xf32, #tpu.memory_space<vmem_shared>> -> memref<128x128xf32, #tpu.memory_space<vmem_shared>>
      tpu.wait_dma2 semaphore(%run_scoped3A : memref<!tpu.dma_semaphore, #tpu.memory_space<semaphore_mem>>) src(%arg9 : memref<128x128xf32, #tpu.memory_space<vmem>>) dst(%dma_wait3A_63 : memref<128x128xf32, #tpu.memory_space<vmem_shared>>)
      tpu.yield
    }) : () -> ()
    %add3A_10 = arith.constant 256 : i32
    %add3A_11 = arith.addi %mul3A_6, %add3A_10 : i32
    "tpu.region"() ({
      %run_scoped3A = tpu.sem_alloc : memref<!tpu.dma_semaphore, #tpu.memory_space<semaphore_mem>>
      %dma_start3A = arith.constant 0 : i32
      %dma_start3A_58 = tpu.memref_slice %arg11[%add3A_11, %dma_start3A] : memref<10112x128xf32, #tpu.memory_space<vmem_shared>> -> memref<128x128xf32, #tpu.memory_space<vmem_shared>>
      %dma_start3A_59 = arith.constant 0 : i32
      %dma_start3A_60 = tpu.memref_slice %arg11[%add3A_11, %dma_start3A_59] : memref<10112x128xf32, #tpu.memory_space<vmem_shared>> -> memref<128x128xf32, #tpu.memory_space<vmem_shared>>
      tpu.enqueue_dma source(%arg9 : memref<128x128xf32, #tpu.memory_space<vmem>>) target(%dma_start3A_60 : memref<128x128xf32, #tpu.memory_space<vmem_shared>>) target_semaphore(%run_scoped3A : memref<!tpu.dma_semaphore, #tpu.memory_space<semaphore_mem>>)
      %dma_wait3A = arith.constant 0 : i32
      %dma_wait3A_61 = tpu.memref_slice %arg11[%add3A_11, %dma_wait3A] : memref<10112x128xf32, #tpu.memory_space<vmem_shared>> -> memref<128x128xf32, #tpu.memory_space<vmem_shared>>
      %dma_wait3A_62 = arith.constant 0 : i32
      %dma_wait3A_63 = tpu.memref_slice %arg11[%add3A_11, %dma_wait3A_62] : memref<10112x128xf32, #tpu.memory_space<vmem_shared>> -> memref<128x128xf32, #tpu.memory_space<vmem_shared>>
      tpu.wait_dma2 semaphore(%run_scoped3A : memref<!tpu.dma_semaphore, #tpu.memory_space<semaphore_mem>>) src(%arg9 : memref<128x128xf32, #tpu.memory_space<vmem>>) dst(%dma_wait3A_63 : memref<128x128xf32, #tpu.memory_space<vmem_shared>>)
      tpu.yield
    }) : () -> ()
    %add3A_12 = arith.constant 384 : i32
    %add3A_13 = arith.addi %mul3A_6, %add3A_12 : i32
    "tpu.region"() ({
      %run_scoped3A = tpu.sem_alloc : memref<!tpu.dma_semaphore, #tpu.memory_space<semaphore_mem>>
      %dma_start3A = arith.constant 0 : i32
      %dma_start3A_58 = tpu.memref_slice %arg11[%add3A_13, %dma_start3A] : memref<10112x128xf32, #tpu.memory_space<vmem_shared>> -> memref<128x128xf32, #tpu.memory_space<vmem_shared>>
      %dma_start3A_59 = arith.constant 0 : i32
      %dma_start3A_60 = tpu.memref_slice %arg11[%add3A_13, %dma_start3A_59] : memref<10112x128xf32, #tpu.memory_space<vmem_shared>> -> memref<128x128xf32, #tpu.memory_space<vmem_shared>>
      tpu.enqueue_dma source(%arg9 : memref<128x128xf32, #tpu.memory_space<vmem>>) target(%dma_start3A_60 : memref<128x128xf32, #tpu.memory_space<vmem_shared>>) target_semaphore(%run_scoped3A : memref<!tpu.dma_semaphore, #tpu.memory_space<semaphore_mem>>)
      %dma_wait3A = arith.constant 0 : i32
      %dma_wait3A_61 = tpu.memref_slice %arg11[%add3A_13, %dma_wait3A] : memref<10112x128xf32, #tpu.memory_space<vmem_shared>> -> memref<128x128xf32, #tpu.memory_space<vmem_shared>>
      %dma_wait3A_62 = arith.constant 0 : i32
      %dma_wait3A_63 = tpu.memref_slice %arg11[%add3A_13, %dma_wait3A_62] : memref<10112x128xf32, #tpu.memory_space<vmem_shared>> -> memref<128x128xf32, #tpu.memory_space<vmem_shared>>
      tpu.wait_dma2 semaphore(%run_scoped3A : memref<!tpu.dma_semaphore, #tpu.memory_space<semaphore_mem>>) src(%arg9 : memref<128x128xf32, #tpu.memory_space<vmem>>) dst(%dma_wait3A_63 : memref<128x128xf32, #tpu.memory_space<vmem_shared>>)
      tpu.yield
    }) : () -> ()
    %add3A_14 = arith.constant 512 : i32
    %add3A_15 = arith.addi %mul3A_6, %add3A_14 : i32
    "tpu.region"() ({
      %run_scoped3A = tpu.sem_alloc : memref<!tpu.dma_semaphore, #tpu.memory_space<semaphore_mem>>
      %dma_start3A = arith.constant 0 : i32
      %dma_start3A_58 = arith.constant 0 : i32
      %dma_start3A_59 = tpu.memref_slice %arg9[%dma_start3A, %dma_start3A_58] : memref<128x128xf32, #tpu.memory_space<vmem>> -> memref<120x128xf32, #tpu.memory_space<vmem>>
      %dma_start3A_60 = arith.constant 0 : i32
      %dma_start3A_61 = tpu.memref_slice %arg11[%add3A_15, %dma_start3A_60] : memref<10112x128xf32, #tpu.memory_space<vmem_shared>> -> memref<120x128xf32, #tpu.memory_space<vmem_shared>>
      %dma_start3A_62 = arith.constant 0 : i32
      %dma_start3A_63 = tpu.memref_slice %arg11[%add3A_15, %dma_start3A_62] : memref<10112x128xf32, #tpu.memory_space<vmem_shared>> -> memref<120x128xf32, #tpu.memory_space<vmem_shared>>
      %dma_start3A_64 = arith.constant 0 : i32
      %dma_start3A_65 = arith.constant 0 : i32
      %dma_start3A_66 = tpu.memref_slice %arg9[%dma_start3A_64, %dma_start3A_65] : memref<128x128xf32, #tpu.memory_space<vmem>> -> memref<120x128xf32, #tpu.memory_space<vmem>>
      tpu.enqueue_dma source(%dma_start3A_66 : memref<120x128xf32, #tpu.memory_space<vmem>>) target(%dma_start3A_63 : memref<120x128xf32, #tpu.memory_space<vmem_shared>>) target_semaphore(%run_scoped3A : memref<!tpu.dma_semaphore, #tpu.memory_space<semaphore_mem>>)
      %dma_wait3A = arith.constant 0 : i32
      %dma_wait3A_67 = arith.constant 0 : i32
      %dma_wait3A_68 = tpu.memref_slice %arg9[%dma_wait3A, %dma_wait3A_67] : memref<128x128xf32, #tpu.memory_space<vmem>> -> memref<120x128xf32, #tpu.memory_space<vmem>>
      %dma_wait3A_69 = arith.constant 0 : i32
      %dma_wait3A_70 = tpu.memref_slice %arg11[%add3A_15, %dma_wait3A_69] : memref<10112x128xf32, #tpu.memory_space<vmem_shared>> -> memref<120x128xf32, #tpu.memory_space<vmem_shared>>
      %dma_wait3A_71 = arith.constant 0 : i32
      %dma_wait3A_72 = tpu.memref_slice %arg11[%add3A_15, %dma_wait3A_71] : memref<10112x128xf32, #tpu.memory_space<vmem_shared>> -> memref<120x128xf32, #tpu.memory_space<vmem_shared>>
      %dma_wait3A_73 = arith.constant 0 : i32
      %dma_wait3A_74 = arith.constant 0 : i32
      %dma_wait3A_75 = tpu.memref_slice %arg9[%dma_wait3A_73, %dma_wait3A_74] : memref<128x128xf32, #tpu.memory_space<vmem>> -> memref<120x128xf32, #tpu.memory_space<vmem>>
      tpu.wait_dma2 semaphore(%run_scoped3A : memref<!tpu.dma_semaphore, #tpu.memory_space<semaphore_mem>>) src(%dma_wait3A_75 : memref<120x128xf32, #tpu.memory_space<vmem>>) dst(%dma_wait3A_72 : memref<120x128xf32, #tpu.memory_space<vmem_shared>>)
      tpu.yield
    }) : () -> ()
    %eq3A = arith.constant 0 : i32
    %eq3A_16 = arith.cmpi eq, %arg0, %eq3A : i32
    %convert_element_type3A = arith.extui %eq3A_16 : i1 to i32
    %cond3A = arith.constant 0 : i32
    %cond3A_17 = arith.cmpi ne, %convert_element_type3A, %cond3A : i32
    scf.if %cond3A_17 {
      %mul3A_58 = arith.constant 64 : i32
      %mul3A_59 = arith.muli %arg1, %mul3A_58 : i32
      "tpu.region"() ({
        %run_scoped3A = tpu.sem_alloc : memref<!tpu.dma_semaphore, #tpu.memory_space<semaphore_mem>>
        %dma_start3A_72 = arith.constant 0 : i32
        %dma_start3A_73 = arith.constant 0 : i32
        %dma_start3A_74 = tpu.memref_slice %arg7[%dma_start3A_72, %dma_start3A_73] : memref<64x128xi32, #tpu.memory_space<vmem>> -> memref<64x128xi32, #tpu.memory_space<vmem>>
        %dma_start3A_75 = arith.constant 0 : i32
        %dma_start3A_76 = tpu.memref_slice %arg4[%mul3A_59, %dma_start3A_75] : memref<1280x128xi32, #tpu.memory_space<hbm>> -> memref<64x128xi32, #tpu.memory_space<hbm>>
        %dma_start3A_77 = arith.constant 0 : i32
        %dma_start3A_78 = arith.constant 0 : i32
        %dma_start3A_79 = tpu.memref_slice %arg7[%dma_start3A_77, %dma_start3A_78] : memref<64x128xi32, #tpu.memory_space<vmem>> -> memref<64x128xi32, #tpu.memory_space<vmem>>
        %dma_start3A_80 = arith.constant 0 : i32
        %dma_start3A_81 = tpu.memref_slice %arg4[%mul3A_59, %dma_start3A_80] : memref<1280x128xi32, #tpu.memory_space<hbm>> -> memref<64x128xi32, #tpu.memory_space<hbm>>
        tpu.enqueue_dma source(%dma_start3A_81 : memref<64x128xi32, #tpu.memory_space<hbm>>) target(%dma_start3A_79 : memref<64x128xi32, #tpu.memory_space<vmem>>) target_semaphore(%run_scoped3A : memref<!tpu.dma_semaphore, #tpu.memory_space<semaphore_mem>>)
        %dma_wait3A = arith.constant 0 : i32
        %dma_wait3A_82 = arith.constant 0 : i32
        %dma_wait3A_83 = tpu.memref_slice %arg7[%dma_wait3A, %dma_wait3A_82] : memref<64x128xi32, #tpu.memory_space<vmem>> -> memref<64x128xi32, #tpu.memory_space<vmem>>
        %dma_wait3A_84 = arith.constant 0 : i32
        %dma_wait3A_85 = tpu.memref_slice %arg4[%mul3A_59, %dma_wait3A_84] : memref<1280x128xi32, #tpu.memory_space<hbm>> -> memref<64x128xi32, #tpu.memory_space<hbm>>
        %dma_wait3A_86 = arith.constant 0 : i32
        %dma_wait3A_87 = arith.constant 0 : i32
        %dma_wait3A_88 = tpu.memref_slice %arg7[%dma_wait3A_86, %dma_wait3A_87] : memref<64x128xi32, #tpu.memory_space<vmem>> -> memref<64x128xi32, #tpu.memory_space<vmem>>
        %dma_wait3A_89 = arith.constant 0 : i32
        %dma_wait3A_90 = tpu.memref_slice %arg4[%mul3A_59, %dma_wait3A_89] : memref<1280x128xi32, #tpu.memory_space<hbm>> -> memref<64x128xi32, #tpu.memory_space<hbm>>
        tpu.wait_dma2 semaphore(%run_scoped3A : memref<!tpu.dma_semaphore, #tpu.memory_space<semaphore_mem>>) src(%dma_wait3A_90 : memref<64x128xi32, #tpu.memory_space<hbm>>) dst(%dma_wait3A_88 : memref<64x128xi32, #tpu.memory_space<vmem>>)
        tpu.yield
      }) : () -> ()
      "tpu.region"() ({
        %run_scoped3A = tpu.sem_alloc : memref<!tpu.dma_semaphore, #tpu.memory_space<semaphore_mem>>
        %dma_start3A_72 = arith.constant 0 : i32
        %dma_start3A_73 = arith.constant 0 : i32
        %dma_start3A_74 = tpu.memref_slice %arg8[%dma_start3A_72, %dma_start3A_73] : memref<64x128xi32, #tpu.memory_space<vmem>> -> memref<64x128xi32, #tpu.memory_space<vmem>>
        %dma_start3A_75 = arith.constant 0 : i32
        %dma_start3A_76 = tpu.memref_slice %arg5[%mul3A_59, %dma_start3A_75] : memref<1280x128xi32, #tpu.memory_space<hbm>> -> memref<64x128xi32, #tpu.memory_space<hbm>>
        %dma_start3A_77 = arith.constant 0 : i32
        %dma_start3A_78 = arith.constant 0 : i32
        %dma_start3A_79 = tpu.memref_slice %arg8[%dma_start3A_77, %dma_start3A_78] : memref<64x128xi32, #tpu.memory_space<vmem>> -> memref<64x128xi32, #tpu.memory_space<vmem>>
        %dma_start3A_80 = arith.constant 0 : i32
        %dma_start3A_81 = tpu.memref_slice %arg5[%mul3A_59, %dma_start3A_80] : memref<1280x128xi32, #tpu.memory_space<hbm>> -> memref<64x128xi32, #tpu.memory_space<hbm>>
        tpu.enqueue_dma source(%dma_start3A_81 : memref<64x128xi32, #tpu.memory_space<hbm>>) target(%dma_start3A_79 : memref<64x128xi32, #tpu.memory_space<vmem>>) target_semaphore(%run_scoped3A : memref<!tpu.dma_semaphore, #tpu.memory_space<semaphore_mem>>)
        %dma_wait3A = arith.constant 0 : i32
        %dma_wait3A_82 = arith.constant 0 : i32
        %dma_wait3A_83 = tpu.memref_slice %arg8[%dma_wait3A, %dma_wait3A_82] : memref<64x128xi32, #tpu.memory_space<vmem>> -> memref<64x128xi32, #tpu.memory_space<vmem>>
        %dma_wait3A_84 = arith.constant 0 : i32
        %dma_wait3A_85 = tpu.memref_slice %arg5[%mul3A_59, %dma_wait3A_84] : memref<1280x128xi32, #tpu.memory_space<hbm>> -> memref<64x128xi32, #tpu.memory_space<hbm>>
        %dma_wait3A_86 = arith.constant 0 : i32
        %dma_wait3A_87 = arith.constant 0 : i32
        %dma_wait3A_88 = tpu.memref_slice %arg8[%dma_wait3A_86, %dma_wait3A_87] : memref<64x128xi32, #tpu.memory_space<vmem>> -> memref<64x128xi32, #tpu.memory_space<vmem>>
        %dma_wait3A_89 = arith.constant 0 : i32
        %dma_wait3A_90 = tpu.memref_slice %arg5[%mul3A_59, %dma_wait3A_89] : memref<1280x128xi32, #tpu.memory_space<hbm>> -> memref<64x128xi32, #tpu.memory_space<hbm>>
        tpu.wait_dma2 semaphore(%run_scoped3A : memref<!tpu.dma_semaphore, #tpu.memory_space<semaphore_mem>>) src(%dma_wait3A_90 : memref<64x128xi32, #tpu.memory_space<hbm>>) dst(%dma_wait3A_88 : memref<64x128xi32, #tpu.memory_space<vmem>>)
        tpu.yield
      }) : () -> ()
      %dma_start3A = arith.constant 0 : i32
      %dma_start3A_60 = arith.constant 0 : i32
      %dma_start3A_61 = tpu.memref_slice %arg7[%dma_start3A, %dma_start3A_60] : memref<64x128xi32, #tpu.memory_space<vmem>> -> memref<1x128xi32, #tpu.memory_space<vmem>>
      %dma_start3A_62 = tpu.memref_squeeze %dma_start3A_61 : memref<1x128xi32, #tpu.memory_space<vmem>> -> memref<128xi32, #tpu.memory_space<vmem>>
      %dma_start3A_63 = arith.constant 0 : i32
      %dma_start3A_64 = arith.constant 0 : i32
      %dma_start3A_65 = tpu.memref_slice %arg2[%dma_start3A_63, %dma_start3A_64] : memref<10240x128xf32, #tpu.memory_space<hbm>> -> memref<10240x128xf32, #tpu.memory_space<hbm>>
      tpu.enqueue_indirect_dma source(%dma_start3A_65 : memref<10240x128xf32, #tpu.memory_space<hbm>>) target(%arg9 : memref<128x128xf32, #tpu.memory_space<vmem>>) offsets(%dma_start3A_62 : memref<128xi32, #tpu.memory_space<vmem>>) semaphore(%arg12 : memref<!tpu.dma_semaphore, #tpu.memory_space<semaphore_mem>>)
      %scan3A_66 = arith.constant 0 : i32
      %scan3A_67 = arith.constant 0 : i32
      %scan3A_68 = arith.constant 32 : i32
      %scan3A_69 = arith.addi %scan3A_67, %scan3A_68 : i32
      %scan3A_70 = arith.constant 1 : i32
      scf.for %scan3A_72 = %scan3A_67 to %scan3A_69 step %scan3A_70  : i32 {
        %mul3A_73 = arith.constant 2 : i32
        %mul3A_74 = arith.muli %mul3A_73, %scan3A_72 : i32
        %add3A_75 = arith.constant 1 : i32
        %add3A_76 = arith.addi %mul3A_74, %add3A_75 : i32
        %dma_wait3A = arith.constant 0 : i32
        %dma_wait3A_77 = tpu.memref_slice %arg7[%mul3A_74, %dma_wait3A] : memref<64x128xi32, #tpu.memory_space<vmem>> -> memref<1x128xi32, #tpu.memory_space<vmem>>
        %dma_wait3A_78 = tpu.memref_squeeze %dma_wait3A_77 : memref<1x128xi32, #tpu.memory_space<vmem>> -> memref<128xi32, #tpu.memory_space<vmem>>
        %dma_wait3A_79 = arith.constant 0 : i32
        %dma_wait3A_80 = arith.constant 0 : i32
        %dma_wait3A_81 = tpu.memref_slice %arg2[%dma_wait3A_79, %dma_wait3A_80] : memref<10240x128xf32, #tpu.memory_space<hbm>> -> memref<10240x128xf32, #tpu.memory_space<hbm>>
        tpu.wait_indirect_dma semaphore(%arg12 : memref<!tpu.dma_semaphore, #tpu.memory_space<semaphore_mem>>) src(%dma_wait3A_81 : memref<10240x128xf32, #tpu.memory_space<hbm>>) dst(%arg9 : memref<128x128xf32, #tpu.memory_space<vmem>>)
        %dma_start3A_82 = arith.constant 0 : i32
        %dma_start3A_83 = tpu.memref_slice %arg7[%add3A_76, %dma_start3A_82] : memref<64x128xi32, #tpu.memory_space<vmem>> -> memref<1x128xi32, #tpu.memory_space<vmem>>
        %dma_start3A_84 = tpu.memref_squeeze %dma_start3A_83 : memref<1x128xi32, #tpu.memory_space<vmem>> -> memref<128xi32, #tpu.memory_space<vmem>>
        %dma_start3A_85 = arith.constant 0 : i32
        %dma_start3A_86 = arith.constant 0 : i32
        %dma_start3A_87 = tpu.memref_slice %arg2[%dma_start3A_85, %dma_start3A_86] : memref<10240x128xf32, #tpu.memory_space<hbm>> -> memref<10240x128xf32, #tpu.memory_space<hbm>>
        tpu.enqueue_indirect_dma source(%dma_start3A_87 : memref<10240x128xf32, #tpu.memory_space<hbm>>) target(%arg10 : memref<128x128xf32, #tpu.memory_space<vmem>>) offsets(%dma_start3A_84 : memref<128xi32, #tpu.memory_space<vmem>>) semaphore(%arg12 : memref<!tpu.dma_semaphore, #tpu.memory_space<semaphore_mem>>)
        "tpu.region"() ({
          %run_scoped3A = tpu.sem_alloc : memref<!tpu.dma_semaphore, #tpu.memory_space<semaphore_mem>>
          %dma_start3A_100 = arith.constant 0 : i32
          %dma_start3A_101 = tpu.memref_slice %arg8[%mul3A_74, %dma_start3A_100] : memref<64x128xi32, #tpu.memory_space<vmem>> -> memref<1x128xi32, #tpu.memory_space<vmem>>
          %dma_start3A_102 = tpu.memref_squeeze %dma_start3A_101 : memref<1x128xi32, #tpu.memory_space<vmem>> -> memref<128xi32, #tpu.memory_space<vmem>>
          %dma_start3A_103 = arith.constant 0 : i32
          %dma_start3A_104 = arith.constant 0 : i32
          %dma_start3A_105 = tpu.memref_slice %arg11[%dma_start3A_103, %dma_start3A_104] : memref<10112x128xf32, #tpu.memory_space<vmem_shared>> -> memref<10112x128xf32, #tpu.memory_space<vmem_shared>>
          tpu.enqueue_indirect_dma source(%arg9 : memref<128x128xf32, #tpu.memory_space<vmem>>) target(%dma_start3A_105 : memref<10112x128xf32, #tpu.memory_space<vmem_shared>>) offsets(%dma_start3A_102 : memref<128xi32, #tpu.memory_space<vmem>>) semaphore(%run_scoped3A : memref<!tpu.dma_semaphore, #tpu.memory_space<semaphore_mem>>) {add = true}
          %dma_wait3A_106 = arith.constant 0 : i32
          %dma_wait3A_107 = tpu.memref_slice %arg8[%mul3A_74, %dma_wait3A_106] : memref<64x128xi32, #tpu.memory_space<vmem>> -> memref<1x128xi32, #tpu.memory_space<vmem>>
          %dma_wait3A_108 = tpu.memref_squeeze %dma_wait3A_107 : memref<1x128xi32, #tpu.memory_space<vmem>> -> memref<128xi32, #tpu.memory_space<vmem>>
          %dma_wait3A_109 = arith.constant 0 : i32
          %dma_wait3A_110 = arith.constant 0 : i32
          %dma_wait3A_111 = tpu.memref_slice %arg11[%dma_wait3A_109, %dma_wait3A_110] : memref<10112x128xf32, #tpu.memory_space<vmem_shared>> -> memref<10112x128xf32, #tpu.memory_space<vmem_shared>>
          tpu.wait_indirect_dma semaphore(%run_scoped3A : memref<!tpu.dma_semaphore, #tpu.memory_space<semaphore_mem>>) src(%arg9 : memref<128x128xf32, #tpu.memory_space<vmem>>) dst(%dma_wait3A_111 : memref<10112x128xf32, #tpu.memory_space<vmem_shared>>)
          tpu.yield
        }) : () -> ()
        %dma_wait3A_88 = arith.constant 0 : i32
        %dma_wait3A_89 = tpu.memref_slice %arg7[%add3A_76, %dma_wait3A_88] : memref<64x128xi32, #tpu.memory_space<vmem>> -> memref<1x128xi32, #tpu.memory_space<vmem>>
        %dma_wait3A_90 = tpu.memref_squeeze %dma_wait3A_89 : memref<1x128xi32, #tpu.memory_space<vmem>> -> memref<128xi32, #tpu.memory_space<vmem>>
        %dma_wait3A_91 = arith.constant 0 : i32
        %dma_wait3A_92 = arith.constant 0 : i32
        %dma_wait3A_93 = tpu.memref_slice %arg2[%dma_wait3A_91, %dma_wait3A_92] : memref<10240x128xf32, #tpu.memory_space<hbm>> -> memref<10240x128xf32, #tpu.memory_space<hbm>>
        tpu.wait_indirect_dma semaphore(%arg12 : memref<!tpu.dma_semaphore, #tpu.memory_space<semaphore_mem>>) src(%dma_wait3A_93 : memref<10240x128xf32, #tpu.memory_space<hbm>>) dst(%arg10 : memref<128x128xf32, #tpu.memory_space<vmem>>)
        %add3A_94 = arith.constant 1 : i32
        %add3A_95 = arith.addi %add3A_76, %add3A_94 : i32
        %lt3A = arith.constant 64 : i32
        %lt3A_96 = arith.cmpi slt, %add3A_95, %lt3A : i32
        %convert_element_type3A_97 = arith.extui %lt3A_96 : i1 to i32
        %cond3A_98 = arith.constant 0 : i32
        %cond3A_99 = arith.cmpi ne, %convert_element_type3A_97, %cond3A_98 : i32
        scf.if %cond3A_99 {
          %add3A_100 = arith.constant 1 : i32
          %add3A_101 = arith.addi %add3A_76, %add3A_100 : i32
          %dma_start3A_102 = arith.constant 0 : i32
          %dma_start3A_103 = tpu.memref_slice %arg7[%add3A_101, %dma_start3A_102] : memref<64x128xi32, #tpu.memory_space<vmem>> -> memref<1x128xi32, #tpu.memory_space<vmem>>
          %dma_start3A_104 = tpu.memref_squeeze %dma_start3A_103 : memref<1x128xi32, #tpu.memory_space<vmem>> -> memref<128xi32, #tpu.memory_space<vmem>>
          %dma_start3A_105 = arith.constant 0 : i32
          %dma_start3A_106 = arith.constant 0 : i32
          %dma_start3A_107 = tpu.memref_slice %arg2[%dma_start3A_105, %dma_start3A_106] : memref<10240x128xf32, #tpu.memory_space<hbm>> -> memref<10240x128xf32, #tpu.memory_space<hbm>>
          tpu.enqueue_indirect_dma source(%dma_start3A_107 : memref<10240x128xf32, #tpu.memory_space<hbm>>) target(%arg9 : memref<128x128xf32, #tpu.memory_space<vmem>>) offsets(%dma_start3A_104 : memref<128xi32, #tpu.memory_space<vmem>>) semaphore(%arg12 : memref<!tpu.dma_semaphore, #tpu.memory_space<semaphore_mem>>)
        } else {
        }
        "tpu.region"() ({
          %run_scoped3A = tpu.sem_alloc : memref<!tpu.dma_semaphore, #tpu.memory_space<semaphore_mem>>
          %dma_start3A_100 = arith.constant 0 : i32
          %dma_start3A_101 = tpu.memref_slice %arg8[%add3A_76, %dma_start3A_100] : memref<64x128xi32, #tpu.memory_space<vmem>> -> memref<1x128xi32, #tpu.memory_space<vmem>>
          %dma_start3A_102 = tpu.memref_squeeze %dma_start3A_101 : memref<1x128xi32, #tpu.memory_space<vmem>> -> memref<128xi32, #tpu.memory_space<vmem>>
          %dma_start3A_103 = arith.constant 0 : i32
          %dma_start3A_104 = arith.constant 0 : i32
          %dma_start3A_105 = tpu.memref_slice %arg11[%dma_start3A_103, %dma_start3A_104] : memref<10112x128xf32, #tpu.memory_space<vmem_shared>> -> memref<10112x128xf32, #tpu.memory_space<vmem_shared>>
          tpu.enqueue_indirect_dma source(%arg10 : memref<128x128xf32, #tpu.memory_space<vmem>>) target(%dma_start3A_105 : memref<10112x128xf32, #tpu.memory_space<vmem_shared>>) offsets(%dma_start3A_102 : memref<128xi32, #tpu.memory_space<vmem>>) semaphore(%run_scoped3A : memref<!tpu.dma_semaphore, #tpu.memory_space<semaphore_mem>>) {add = true}
          %dma_wait3A_106 = arith.constant 0 : i32
          %dma_wait3A_107 = tpu.memref_slice %arg8[%add3A_76, %dma_wait3A_106] : memref<64x128xi32, #tpu.memory_space<vmem>> -> memref<1x128xi32, #tpu.memory_space<vmem>>
          %dma_wait3A_108 = tpu.memref_squeeze %dma_wait3A_107 : memref<1x128xi32, #tpu.memory_space<vmem>> -> memref<128xi32, #tpu.memory_space<vmem>>
          %dma_wait3A_109 = arith.constant 0 : i32
          %dma_wait3A_110 = arith.constant 0 : i32
          %dma_wait3A_111 = tpu.memref_slice %arg11[%dma_wait3A_109, %dma_wait3A_110] : memref<10112x128xf32, #tpu.memory_space<vmem_shared>> -> memref<10112x128xf32, #tpu.memory_space<vmem_shared>>
          tpu.wait_indirect_dma semaphore(%run_scoped3A : memref<!tpu.dma_semaphore, #tpu.memory_space<semaphore_mem>>) src(%arg10 : memref<128x128xf32, #tpu.memory_space<vmem>>) dst(%dma_wait3A_111 : memref<10112x128xf32, #tpu.memory_space<vmem_shared>>)
          tpu.yield
        }) : () -> ()
      }
      %scan3A_71 = arith.constant 32 : i32
    } else {
    }
    %eq3A_18 = arith.constant 1 : i32
    %eq3A_19 = arith.cmpi eq, %arg0, %eq3A_18 : i32
    %convert_element_type3A_20 = arith.extui %eq3A_19 : i1 to i32
    %cond3A_21 = arith.constant 0 : i32
    %cond3A_22 = arith.cmpi ne, %convert_element_type3A_20, %cond3A_21 : i32
    scf.if %cond3A_22 {
      %mul3A_58 = arith.constant 16 : i32
      %mul3A_59 = arith.muli %arg1, %mul3A_58 : i32
      %add3A_60 = arith.constant 1024 : i32
      %add3A_61 = arith.addi %add3A_60, %mul3A_59 : i32
      "tpu.region"() ({
        %run_scoped3A = tpu.sem_alloc : memref<!tpu.dma_semaphore, #tpu.memory_space<semaphore_mem>>
        %dma_start3A_74 = arith.constant 0 : i32
        %dma_start3A_75 = arith.constant 0 : i32
        %dma_start3A_76 = tpu.memref_slice %arg7[%dma_start3A_74, %dma_start3A_75] : memref<64x128xi32, #tpu.memory_space<vmem>> -> memref<16x128xi32, #tpu.memory_space<vmem>>
        %dma_start3A_77 = arith.constant 0 : i32
        %dma_start3A_78 = tpu.memref_slice %arg4[%add3A_61, %dma_start3A_77] : memref<1280x128xi32, #tpu.memory_space<hbm>> -> memref<16x128xi32, #tpu.memory_space<hbm>>
        %dma_start3A_79 = arith.constant 0 : i32
        %dma_start3A_80 = arith.constant 0 : i32
        %dma_start3A_81 = tpu.memref_slice %arg7[%dma_start3A_79, %dma_start3A_80] : memref<64x128xi32, #tpu.memory_space<vmem>> -> memref<16x128xi32, #tpu.memory_space<vmem>>
        %dma_start3A_82 = arith.constant 0 : i32
        %dma_start3A_83 = tpu.memref_slice %arg4[%add3A_61, %dma_start3A_82] : memref<1280x128xi32, #tpu.memory_space<hbm>> -> memref<16x128xi32, #tpu.memory_space<hbm>>
        tpu.enqueue_dma source(%dma_start3A_83 : memref<16x128xi32, #tpu.memory_space<hbm>>) target(%dma_start3A_81 : memref<16x128xi32, #tpu.memory_space<vmem>>) target_semaphore(%run_scoped3A : memref<!tpu.dma_semaphore, #tpu.memory_space<semaphore_mem>>)
        %dma_wait3A = arith.constant 0 : i32
        %dma_wait3A_84 = arith.constant 0 : i32
        %dma_wait3A_85 = tpu.memref_slice %arg7[%dma_wait3A, %dma_wait3A_84] : memref<64x128xi32, #tpu.memory_space<vmem>> -> memref<16x128xi32, #tpu.memory_space<vmem>>
        %dma_wait3A_86 = arith.constant 0 : i32
        %dma_wait3A_87 = tpu.memref_slice %arg4[%add3A_61, %dma_wait3A_86] : memref<1280x128xi32, #tpu.memory_space<hbm>> -> memref<16x128xi32, #tpu.memory_space<hbm>>
        %dma_wait3A_88 = arith.constant 0 : i32
        %dma_wait3A_89 = arith.constant 0 : i32
        %dma_wait3A_90 = tpu.memref_slice %arg7[%dma_wait3A_88, %dma_wait3A_89] : memref<64x128xi32, #tpu.memory_space<vmem>> -> memref<16x128xi32, #tpu.memory_space<vmem>>
        %dma_wait3A_91 = arith.constant 0 : i32
        %dma_wait3A_92 = tpu.memref_slice %arg4[%add3A_61, %dma_wait3A_91] : memref<1280x128xi32, #tpu.memory_space<hbm>> -> memref<16x128xi32, #tpu.memory_space<hbm>>
        tpu.wait_dma2 semaphore(%run_scoped3A : memref<!tpu.dma_semaphore, #tpu.memory_space<semaphore_mem>>) src(%dma_wait3A_92 : memref<16x128xi32, #tpu.memory_space<hbm>>) dst(%dma_wait3A_90 : memref<16x128xi32, #tpu.memory_space<vmem>>)
        tpu.yield
      }) : () -> ()
      "tpu.region"() ({
        %run_scoped3A = tpu.sem_alloc : memref<!tpu.dma_semaphore, #tpu.memory_space<semaphore_mem>>
        %dma_start3A_74 = arith.constant 0 : i32
        %dma_start3A_75 = arith.constant 0 : i32
        %dma_start3A_76 = tpu.memref_slice %arg8[%dma_start3A_74, %dma_start3A_75] : memref<64x128xi32, #tpu.memory_space<vmem>> -> memref<16x128xi32, #tpu.memory_space<vmem>>
        %dma_start3A_77 = arith.constant 0 : i32
        %dma_start3A_78 = tpu.memref_slice %arg5[%add3A_61, %dma_start3A_77] : memref<1280x128xi32, #tpu.memory_space<hbm>> -> memref<16x128xi32, #tpu.memory_space<hbm>>
        %dma_start3A_79 = arith.constant 0 : i32
        %dma_start3A_80 = arith.constant 0 : i32
        %dma_start3A_81 = tpu.memref_slice %arg8[%dma_start3A_79, %dma_start3A_80] : memref<64x128xi32, #tpu.memory_space<vmem>> -> memref<16x128xi32, #tpu.memory_space<vmem>>
        %dma_start3A_82 = arith.constant 0 : i32
        %dma_start3A_83 = tpu.memref_slice %arg5[%add3A_61, %dma_start3A_82] : memref<1280x128xi32, #tpu.memory_space<hbm>> -> memref<16x128xi32, #tpu.memory_space<hbm>>
        tpu.enqueue_dma source(%dma_start3A_83 : memref<16x128xi32, #tpu.memory_space<hbm>>) target(%dma_start3A_81 : memref<16x128xi32, #tpu.memory_space<vmem>>) target_semaphore(%run_scoped3A : memref<!tpu.dma_semaphore, #tpu.memory_space<semaphore_mem>>)
        %dma_wait3A = arith.constant 0 : i32
        %dma_wait3A_84 = arith.constant 0 : i32
        %dma_wait3A_85 = tpu.memref_slice %arg8[%dma_wait3A, %dma_wait3A_84] : memref<64x128xi32, #tpu.memory_space<vmem>> -> memref<16x128xi32, #tpu.memory_space<vmem>>
        %dma_wait3A_86 = arith.constant 0 : i32
        %dma_wait3A_87 = tpu.memref_slice %arg5[%add3A_61, %dma_wait3A_86] : memref<1280x128xi32, #tpu.memory_space<hbm>> -> memref<16x128xi32, #tpu.memory_space<hbm>>
        %dma_wait3A_88 = arith.constant 0 : i32
        %dma_wait3A_89 = arith.constant 0 : i32
        %dma_wait3A_90 = tpu.memref_slice %arg8[%dma_wait3A_88, %dma_wait3A_89] : memref<64x128xi32, #tpu.memory_space<vmem>> -> memref<16x128xi32, #tpu.memory_space<vmem>>
        %dma_wait3A_91 = arith.constant 0 : i32
        %dma_wait3A_92 = tpu.memref_slice %arg5[%add3A_61, %dma_wait3A_91] : memref<1280x128xi32, #tpu.memory_space<hbm>> -> memref<16x128xi32, #tpu.memory_space<hbm>>
        tpu.wait_dma2 semaphore(%run_scoped3A : memref<!tpu.dma_semaphore, #tpu.memory_space<semaphore_mem>>) src(%dma_wait3A_92 : memref<16x128xi32, #tpu.memory_space<hbm>>) dst(%dma_wait3A_90 : memref<16x128xi32, #tpu.memory_space<vmem>>)
        tpu.yield
      }) : () -> ()
      %dma_start3A = arith.constant 0 : i32
      %dma_start3A_62 = arith.constant 0 : i32
      %dma_start3A_63 = tpu.memref_slice %arg7[%dma_start3A, %dma_start3A_62] : memref<64x128xi32, #tpu.memory_space<vmem>> -> memref<1x128xi32, #tpu.memory_space<vmem>>
      %dma_start3A_64 = tpu.memref_squeeze %dma_start3A_63 : memref<1x128xi32, #tpu.memory_space<vmem>> -> memref<128xi32, #tpu.memory_space<vmem>>
      %dma_start3A_65 = arith.constant 0 : i32
      %dma_start3A_66 = arith.constant 0 : i32
      %dma_start3A_67 = tpu.memref_slice %arg3[%dma_start3A_65, %dma_start3A_66] : memref<10240x128xf32, #tpu.memory_space<hbm>> -> memref<10240x128xf32, #tpu.memory_space<hbm>>
      tpu.enqueue_indirect_dma source(%dma_start3A_67 : memref<10240x128xf32, #tpu.memory_space<hbm>>) target(%arg9 : memref<128x128xf32, #tpu.memory_space<vmem>>) offsets(%dma_start3A_64 : memref<128xi32, #tpu.memory_space<vmem>>) semaphore(%arg12 : memref<!tpu.dma_semaphore, #tpu.memory_space<semaphore_mem>>)
      %scan3A_68 = arith.constant 0 : i32
      %scan3A_69 = arith.constant 0 : i32
      %scan3A_70 = arith.constant 8 : i32
      %scan3A_71 = arith.addi %scan3A_69, %scan3A_70 : i32
      %scan3A_72 = arith.constant 1 : i32
      scf.for %scan3A_74 = %scan3A_69 to %scan3A_71 step %scan3A_72  : i32 {
        %mul3A_75 = arith.constant 2 : i32
        %mul3A_76 = arith.muli %mul3A_75, %scan3A_74 : i32
        %add3A_77 = arith.constant 1 : i32
        %add3A_78 = arith.addi %mul3A_76, %add3A_77 : i32
        %dma_wait3A = arith.constant 0 : i32
        %dma_wait3A_79 = tpu.memref_slice %arg7[%mul3A_76, %dma_wait3A] : memref<64x128xi32, #tpu.memory_space<vmem>> -> memref<1x128xi32, #tpu.memory_space<vmem>>
        %dma_wait3A_80 = tpu.memref_squeeze %dma_wait3A_79 : memref<1x128xi32, #tpu.memory_space<vmem>> -> memref<128xi32, #tpu.memory_space<vmem>>
        %dma_wait3A_81 = arith.constant 0 : i32
        %dma_wait3A_82 = arith.constant 0 : i32
        %dma_wait3A_83 = tpu.memref_slice %arg3[%dma_wait3A_81, %dma_wait3A_82] : memref<10240x128xf32, #tpu.memory_space<hbm>> -> memref<10240x128xf32, #tpu.memory_space<hbm>>
        tpu.wait_indirect_dma semaphore(%arg12 : memref<!tpu.dma_semaphore, #tpu.memory_space<semaphore_mem>>) src(%dma_wait3A_83 : memref<10240x128xf32, #tpu.memory_space<hbm>>) dst(%arg9 : memref<128x128xf32, #tpu.memory_space<vmem>>)
        %dma_start3A_84 = arith.constant 0 : i32
        %dma_start3A_85 = tpu.memref_slice %arg7[%add3A_78, %dma_start3A_84] : memref<64x128xi32, #tpu.memory_space<vmem>> -> memref<1x128xi32, #tpu.memory_space<vmem>>
        %dma_start3A_86 = tpu.memref_squeeze %dma_start3A_85 : memref<1x128xi32, #tpu.memory_space<vmem>> -> memref<128xi32, #tpu.memory_space<vmem>>
        %dma_start3A_87 = arith.constant 0 : i32
        %dma_start3A_88 = arith.constant 0 : i32
        %dma_start3A_89 = tpu.memref_slice %arg3[%dma_start3A_87, %dma_start3A_88] : memref<10240x128xf32, #tpu.memory_space<hbm>> -> memref<10240x128xf32, #tpu.memory_space<hbm>>
        tpu.enqueue_indirect_dma source(%dma_start3A_89 : memref<10240x128xf32, #tpu.memory_space<hbm>>) target(%arg10 : memref<128x128xf32, #tpu.memory_space<vmem>>) offsets(%dma_start3A_86 : memref<128xi32, #tpu.memory_space<vmem>>) semaphore(%arg12 : memref<!tpu.dma_semaphore, #tpu.memory_space<semaphore_mem>>)
        "tpu.region"() ({
          %run_scoped3A = tpu.sem_alloc : memref<!tpu.dma_semaphore, #tpu.memory_space<semaphore_mem>>
          %dma_start3A_102 = arith.constant 0 : i32
          %dma_start3A_103 = tpu.memref_slice %arg8[%mul3A_76, %dma_start3A_102] : memref<64x128xi32, #tpu.memory_space<vmem>> -> memref<1x128xi32, #tpu.memory_space<vmem>>
          %dma_start3A_104 = tpu.memref_squeeze %dma_start3A_103 : memref<1x128xi32, #tpu.memory_space<vmem>> -> memref<128xi32, #tpu.memory_space<vmem>>
          %dma_start3A_105 = arith.constant 0 : i32
          %dma_start3A_106 = arith.constant 0 : i32
          %dma_start3A_107 = tpu.memref_slice %arg11[%dma_start3A_105, %dma_start3A_106] : memref<10112x128xf32, #tpu.memory_space<vmem_shared>> -> memref<10112x128xf32, #tpu.memory_space<vmem_shared>>
          tpu.enqueue_indirect_dma source(%arg9 : memref<128x128xf32, #tpu.memory_space<vmem>>) target(%dma_start3A_107 : memref<10112x128xf32, #tpu.memory_space<vmem_shared>>) offsets(%dma_start3A_104 : memref<128xi32, #tpu.memory_space<vmem>>) semaphore(%run_scoped3A : memref<!tpu.dma_semaphore, #tpu.memory_space<semaphore_mem>>) {add = true}
          %dma_wait3A_108 = arith.constant 0 : i32
          %dma_wait3A_109 = tpu.memref_slice %arg8[%mul3A_76, %dma_wait3A_108] : memref<64x128xi32, #tpu.memory_space<vmem>> -> memref<1x128xi32, #tpu.memory_space<vmem>>
          %dma_wait3A_110 = tpu.memref_squeeze %dma_wait3A_109 : memref<1x128xi32, #tpu.memory_space<vmem>> -> memref<128xi32, #tpu.memory_space<vmem>>
          %dma_wait3A_111 = arith.constant 0 : i32
          %dma_wait3A_112 = arith.constant 0 : i32
          %dma_wait3A_113 = tpu.memref_slice %arg11[%dma_wait3A_111, %dma_wait3A_112] : memref<10112x128xf32, #tpu.memory_space<vmem_shared>> -> memref<10112x128xf32, #tpu.memory_space<vmem_shared>>
          tpu.wait_indirect_dma semaphore(%run_scoped3A : memref<!tpu.dma_semaphore, #tpu.memory_space<semaphore_mem>>) src(%arg9 : memref<128x128xf32, #tpu.memory_space<vmem>>) dst(%dma_wait3A_113 : memref<10112x128xf32, #tpu.memory_space<vmem_shared>>)
          tpu.yield
        }) : () -> ()
        %dma_wait3A_90 = arith.constant 0 : i32
        %dma_wait3A_91 = tpu.memref_slice %arg7[%add3A_78, %dma_wait3A_90] : memref<64x128xi32, #tpu.memory_space<vmem>> -> memref<1x128xi32, #tpu.memory_space<vmem>>
        %dma_wait3A_92 = tpu.memref_squeeze %dma_wait3A_91 : memref<1x128xi32, #tpu.memory_space<vmem>> -> memref<128xi32, #tpu.memory_space<vmem>>
        %dma_wait3A_93 = arith.constant 0 : i32
        %dma_wait3A_94 = arith.constant 0 : i32
        %dma_wait3A_95 = tpu.memref_slice %arg3[%dma_wait3A_93, %dma_wait3A_94] : memref<10240x128xf32, #tpu.memory_space<hbm>> -> memref<10240x128xf32, #tpu.memory_space<hbm>>
        tpu.wait_indirect_dma semaphore(%arg12 : memref<!tpu.dma_semaphore, #tpu.memory_space<semaphore_mem>>) src(%dma_wait3A_95 : memref<10240x128xf32, #tpu.memory_space<hbm>>) dst(%arg10 : memref<128x128xf32, #tpu.memory_space<vmem>>)
        %add3A_96 = arith.constant 1 : i32
        %add3A_97 = arith.addi %add3A_78, %add3A_96 : i32
        %lt3A = arith.constant 16 : i32
        %lt3A_98 = arith.cmpi slt, %add3A_97, %lt3A : i32
        %convert_element_type3A_99 = arith.extui %lt3A_98 : i1 to i32
        %cond3A_100 = arith.constant 0 : i32
        %cond3A_101 = arith.cmpi ne, %convert_element_type3A_99, %cond3A_100 : i32
        scf.if %cond3A_101 {
          %add3A_102 = arith.constant 1 : i32
          %add3A_103 = arith.addi %add3A_78, %add3A_102 : i32
          %dma_start3A_104 = arith.constant 0 : i32
          %dma_start3A_105 = tpu.memref_slice %arg7[%add3A_103, %dma_start3A_104] : memref<64x128xi32, #tpu.memory_space<vmem>> -> memref<1x128xi32, #tpu.memory_space<vmem>>
          %dma_start3A_106 = tpu.memref_squeeze %dma_start3A_105 : memref<1x128xi32, #tpu.memory_space<vmem>> -> memref<128xi32, #tpu.memory_space<vmem>>
          %dma_start3A_107 = arith.constant 0 : i32
          %dma_start3A_108 = arith.constant 0 : i32
          %dma_start3A_109 = tpu.memref_slice %arg3[%dma_start3A_107, %dma_start3A_108] : memref<10240x128xf32, #tpu.memory_space<hbm>> -> memref<10240x128xf32, #tpu.memory_space<hbm>>
          tpu.enqueue_indirect_dma source(%dma_start3A_109 : memref<10240x128xf32, #tpu.memory_space<hbm>>) target(%arg9 : memref<128x128xf32, #tpu.memory_space<vmem>>) offsets(%dma_start3A_106 : memref<128xi32, #tpu.memory_space<vmem>>) semaphore(%arg12 : memref<!tpu.dma_semaphore, #tpu.memory_space<semaphore_mem>>)
        } else {
        }
        "tpu.region"() ({
          %run_scoped3A = tpu.sem_alloc : memref<!tpu.dma_semaphore, #tpu.memory_space<semaphore_mem>>
          %dma_start3A_102 = arith.constant 0 : i32
          %dma_start3A_103 = tpu.memref_slice %arg8[%add3A_78, %dma_start3A_102] : memref<64x128xi32, #tpu.memory_space<vmem>> -> memref<1x128xi32, #tpu.memory_space<vmem>>
          %dma_start3A_104 = tpu.memref_squeeze %dma_start3A_103 : memref<1x128xi32, #tpu.memory_space<vmem>> -> memref<128xi32, #tpu.memory_space<vmem>>
          %dma_start3A_105 = arith.constant 0 : i32
          %dma_start3A_106 = arith.constant 0 : i32
          %dma_start3A_107 = tpu.memref_slice %arg11[%dma_start3A_105, %dma_start3A_106] : memref<10112x128xf32, #tpu.memory_space<vmem_shared>> -> memref<10112x128xf32, #tpu.memory_space<vmem_shared>>
          tpu.enqueue_indirect_dma source(%arg10 : memref<128x128xf32, #tpu.memory_space<vmem>>) target(%dma_start3A_107 : memref<10112x128xf32, #tpu.memory_space<vmem_shared>>) offsets(%dma_start3A_104 : memref<128xi32, #tpu.memory_space<vmem>>) semaphore(%run_scoped3A : memref<!tpu.dma_semaphore, #tpu.memory_space<semaphore_mem>>) {add = true}
          %dma_wait3A_108 = arith.constant 0 : i32
          %dma_wait3A_109 = tpu.memref_slice %arg8[%add3A_78, %dma_wait3A_108] : memref<64x128xi32, #tpu.memory_space<vmem>> -> memref<1x128xi32, #tpu.memory_space<vmem>>
          %dma_wait3A_110 = tpu.memref_squeeze %dma_wait3A_109 : memref<1x128xi32, #tpu.memory_space<vmem>> -> memref<128xi32, #tpu.memory_space<vmem>>
          %dma_wait3A_111 = arith.constant 0 : i32
          %dma_wait3A_112 = arith.constant 0 : i32
          %dma_wait3A_113 = tpu.memref_slice %arg11[%dma_wait3A_111, %dma_wait3A_112] : memref<10112x128xf32, #tpu.memory_space<vmem_shared>> -> memref<10112x128xf32, #tpu.memory_space<vmem_shared>>
          tpu.wait_indirect_dma semaphore(%run_scoped3A : memref<!tpu.dma_semaphore, #tpu.memory_space<semaphore_mem>>) src(%arg10 : memref<128x128xf32, #tpu.memory_space<vmem>>) dst(%dma_wait3A_113 : memref<10112x128xf32, #tpu.memory_space<vmem_shared>>)
          tpu.yield
        }) : () -> ()
      }
      %scan3A_73 = arith.constant 8 : i32
    } else {
    }
    %barrier3A = arith.constant 0 : index
    tpu.barrier barrier_id(%barrier3A)
    %add3A_23 = arith.constant 0 : i32
    %add3A_24 = arith.addi %mul3A_6, %add3A_23 : i32
    %mul3A_25 = arith.constant 10240 : i32
    %mul3A_26 = arith.muli %arg0, %mul3A_25 : i32
    %add3A_27 = arith.addi %mul3A_26, %mul3A_6 : i32
    %add3A_28 = arith.constant 0 : i32
    %add3A_29 = arith.addi %add3A_27, %add3A_28 : i32
    "tpu.region"() ({
      %run_scoped3A = tpu.sem_alloc : memref<!tpu.dma_semaphore, #tpu.memory_space<semaphore_mem>>
      %dma_start3A = arith.constant 0 : i32
      %dma_start3A_58 = tpu.memref_slice %arg6[%add3A_29, %dma_start3A] : memref<20480x128xf32, #tpu.memory_space<hbm>> -> memref<128x128xf32, #tpu.memory_space<hbm>>
      %dma_start3A_59 = arith.constant 0 : i32
      %dma_start3A_60 = tpu.memref_slice %arg11[%add3A_24, %dma_start3A_59] : memref<10112x128xf32, #tpu.memory_space<vmem_shared>> -> memref<128x128xf32, #tpu.memory_space<vmem_shared>>
      tpu.enqueue_dma source(%dma_start3A_60 : memref<128x128xf32, #tpu.memory_space<vmem_shared>>) target(%dma_start3A_58 : memref<128x128xf32, #tpu.memory_space<hbm>>) target_semaphore(%run_scoped3A : memref<!tpu.dma_semaphore, #tpu.memory_space<semaphore_mem>>)
      %dma_wait3A = arith.constant 0 : i32
      %dma_wait3A_61 = tpu.memref_slice %arg6[%add3A_29, %dma_wait3A] : memref<20480x128xf32, #tpu.memory_space<hbm>> -> memref<128x128xf32, #tpu.memory_space<hbm>>
      %dma_wait3A_62 = arith.constant 0 : i32
      %dma_wait3A_63 = tpu.memref_slice %arg11[%add3A_24, %dma_wait3A_62] : memref<10112x128xf32, #tpu.memory_space<vmem_shared>> -> memref<128x128xf32, #tpu.memory_space<vmem_shared>>
      tpu.wait_dma2 semaphore(%run_scoped3A : memref<!tpu.dma_semaphore, #tpu.memory_space<semaphore_mem>>) src(%dma_wait3A_63 : memref<128x128xf32, #tpu.memory_space<vmem_shared>>) dst(%dma_wait3A_61 : memref<128x128xf32, #tpu.memory_space<hbm>>)
      tpu.yield
    }) : () -> ()
    %add3A_30 = arith.constant 128 : i32
    %add3A_31 = arith.addi %mul3A_6, %add3A_30 : i32
    %mul3A_32 = arith.constant 10240 : i32
    %mul3A_33 = arith.muli %arg0, %mul3A_32 : i32
    %add3A_34 = arith.addi %mul3A_33, %mul3A_6 : i32
    %add3A_35 = arith.constant 128 : i32
    %add3A_36 = arith.addi %add3A_34, %add3A_35 : i32
    "tpu.region"() ({
      %run_scoped3A = tpu.sem_alloc : memref<!tpu.dma_semaphore, #tpu.memory_space<semaphore_mem>>
      %dma_start3A = arith.constant 0 : i32
      %dma_start3A_58 = tpu.memref_slice %arg6[%add3A_36, %dma_start3A] : memref<20480x128xf32, #tpu.memory_space<hbm>> -> memref<128x128xf32, #tpu.memory_space<hbm>>
      %dma_start3A_59 = arith.constant 0 : i32
      %dma_start3A_60 = tpu.memref_slice %arg11[%add3A_31, %dma_start3A_59] : memref<10112x128xf32, #tpu.memory_space<vmem_shared>> -> memref<128x128xf32, #tpu.memory_space<vmem_shared>>
      tpu.enqueue_dma source(%dma_start3A_60 : memref<128x128xf32, #tpu.memory_space<vmem_shared>>) target(%dma_start3A_58 : memref<128x128xf32, #tpu.memory_space<hbm>>) target_semaphore(%run_scoped3A : memref<!tpu.dma_semaphore, #tpu.memory_space<semaphore_mem>>)
      %dma_wait3A = arith.constant 0 : i32
      %dma_wait3A_61 = tpu.memref_slice %arg6[%add3A_36, %dma_wait3A] : memref<20480x128xf32, #tpu.memory_space<hbm>> -> memref<128x128xf32, #tpu.memory_space<hbm>>
      %dma_wait3A_62 = arith.constant 0 : i32
      %dma_wait3A_63 = tpu.memref_slice %arg11[%add3A_31, %dma_wait3A_62] : memref<10112x128xf32, #tpu.memory_space<vmem_shared>> -> memref<128x128xf32, #tpu.memory_space<vmem_shared>>
      tpu.wait_dma2 semaphore(%run_scoped3A : memref<!tpu.dma_semaphore, #tpu.memory_space<semaphore_mem>>) src(%dma_wait3A_63 : memref<128x128xf32, #tpu.memory_space<vmem_shared>>) dst(%dma_wait3A_61 : memref<128x128xf32, #tpu.memory_space<hbm>>)
      tpu.yield
    }) : () -> ()
    %add3A_37 = arith.constant 256 : i32
    %add3A_38 = arith.addi %mul3A_6, %add3A_37 : i32
    %mul3A_39 = arith.constant 10240 : i32
    %mul3A_40 = arith.muli %arg0, %mul3A_39 : i32
    %add3A_41 = arith.addi %mul3A_40, %mul3A_6 : i32
    %add3A_42 = arith.constant 256 : i32
    %add3A_43 = arith.addi %add3A_41, %add3A_42 : i32
    "tpu.region"() ({
      %run_scoped3A = tpu.sem_alloc : memref<!tpu.dma_semaphore, #tpu.memory_space<semaphore_mem>>
      %dma_start3A = arith.constant 0 : i32
      %dma_start3A_58 = tpu.memref_slice %arg6[%add3A_43, %dma_start3A] : memref<20480x128xf32, #tpu.memory_space<hbm>> -> memref<128x128xf32, #tpu.memory_space<hbm>>
      %dma_start3A_59 = arith.constant 0 : i32
      %dma_start3A_60 = tpu.memref_slice %arg11[%add3A_38, %dma_start3A_59] : memref<10112x128xf32, #tpu.memory_space<vmem_shared>> -> memref<128x128xf32, #tpu.memory_space<vmem_shared>>
      tpu.enqueue_dma source(%dma_start3A_60 : memref<128x128xf32, #tpu.memory_space<vmem_shared>>) target(%dma_start3A_58 : memref<128x128xf32, #tpu.memory_space<hbm>>) target_semaphore(%run_scoped3A : memref<!tpu.dma_semaphore, #tpu.memory_space<semaphore_mem>>)
      %dma_wait3A = arith.constant 0 : i32
      %dma_wait3A_61 = tpu.memref_slice %arg6[%add3A_43, %dma_wait3A] : memref<20480x128xf32, #tpu.memory_space<hbm>> -> memref<128x128xf32, #tpu.memory_space<hbm>>
      %dma_wait3A_62 = arith.constant 0 : i32
      %dma_wait3A_63 = tpu.memref_slice %arg11[%add3A_38, %dma_wait3A_62] : memref<10112x128xf32, #tpu.memory_space<vmem_shared>> -> memref<128x128xf32, #tpu.memory_space<vmem_shared>>
      tpu.wait_dma2 semaphore(%run_scoped3A : memref<!tpu.dma_semaphore, #tpu.memory_space<semaphore_mem>>) src(%dma_wait3A_63 : memref<128x128xf32, #tpu.memory_space<vmem_shared>>) dst(%dma_wait3A_61 : memref<128x128xf32, #tpu.memory_space<hbm>>)
      tpu.yield
    }) : () -> ()
    %add3A_44 = arith.constant 384 : i32
    %add3A_45 = arith.addi %mul3A_6, %add3A_44 : i32
    %mul3A_46 = arith.constant 10240 : i32
    %mul3A_47 = arith.muli %arg0, %mul3A_46 : i32
    %add3A_48 = arith.addi %mul3A_47, %mul3A_6 : i32
    %add3A_49 = arith.constant 384 : i32
    %add3A_50 = arith.addi %add3A_48, %add3A_49 : i32
    "tpu.region"() ({
      %run_scoped3A = tpu.sem_alloc : memref<!tpu.dma_semaphore, #tpu.memory_space<semaphore_mem>>
      %dma_start3A = arith.constant 0 : i32
      %dma_start3A_58 = tpu.memref_slice %arg6[%add3A_50, %dma_start3A] : memref<20480x128xf32, #tpu.memory_space<hbm>> -> memref<128x128xf32, #tpu.memory_space<hbm>>
      %dma_start3A_59 = arith.constant 0 : i32
      %dma_start3A_60 = tpu.memref_slice %arg11[%add3A_45, %dma_start3A_59] : memref<10112x128xf32, #tpu.memory_space<vmem_shared>> -> memref<128x128xf32, #tpu.memory_space<vmem_shared>>
      tpu.enqueue_dma source(%dma_start3A_60 : memref<128x128xf32, #tpu.memory_space<vmem_shared>>) target(%dma_start3A_58 : memref<128x128xf32, #tpu.memory_space<hbm>>) target_semaphore(%run_scoped3A : memref<!tpu.dma_semaphore, #tpu.memory_space<semaphore_mem>>)
      %dma_wait3A = arith.constant 0 : i32
      %dma_wait3A_61 = tpu.memref_slice %arg6[%add3A_50, %dma_wait3A] : memref<20480x128xf32, #tpu.memory_space<hbm>> -> memref<128x128xf32, #tpu.memory_space<hbm>>
      %dma_wait3A_62 = arith.constant 0 : i32
      %dma_wait3A_63 = tpu.memref_slice %arg11[%add3A_45, %dma_wait3A_62] : memref<10112x128xf32, #tpu.memory_space<vmem_shared>> -> memref<128x128xf32, #tpu.memory_space<vmem_shared>>
      tpu.wait_dma2 semaphore(%run_scoped3A : memref<!tpu.dma_semaphore, #tpu.memory_space<semaphore_mem>>) src(%dma_wait3A_63 : memref<128x128xf32, #tpu.memory_space<vmem_shared>>) dst(%dma_wait3A_61 : memref<128x128xf32, #tpu.memory_space<hbm>>)
      tpu.yield
    }) : () -> ()
    %add3A_51 = arith.constant 512 : i32
    %add3A_52 = arith.addi %mul3A_6, %add3A_51 : i32
    %mul3A_53 = arith.constant 10240 : i32
    %mul3A_54 = arith.muli %arg0, %mul3A_53 : i32
    %add3A_55 = arith.addi %mul3A_54, %mul3A_6 : i32
    %add3A_56 = arith.constant 512 : i32
    %add3A_57 = arith.addi %add3A_55, %add3A_56 : i32
    "tpu.region"() ({
      %run_scoped3A = tpu.sem_alloc : memref<!tpu.dma_semaphore, #tpu.memory_space<semaphore_mem>>
      %dma_start3A = arith.constant 0 : i32
      %dma_start3A_58 = tpu.memref_slice %arg6[%add3A_57, %dma_start3A] : memref<20480x128xf32, #tpu.memory_space<hbm>> -> memref<120x128xf32, #tpu.memory_space<hbm>>
      %dma_start3A_59 = arith.constant 0 : i32
      %dma_start3A_60 = tpu.memref_slice %arg11[%add3A_52, %dma_start3A_59] : memref<10112x128xf32, #tpu.memory_space<vmem_shared>> -> memref<120x128xf32, #tpu.memory_space<vmem_shared>>
      tpu.enqueue_dma source(%dma_start3A_60 : memref<120x128xf32, #tpu.memory_space<vmem_shared>>) target(%dma_start3A_58 : memref<120x128xf32, #tpu.memory_space<hbm>>) target_semaphore(%run_scoped3A : memref<!tpu.dma_semaphore, #tpu.memory_space<semaphore_mem>>)
      %dma_wait3A = arith.constant 0 : i32
      %dma_wait3A_61 = tpu.memref_slice %arg6[%add3A_57, %dma_wait3A] : memref<20480x128xf32, #tpu.memory_space<hbm>> -> memref<120x128xf32, #tpu.memory_space<hbm>>
      %dma_wait3A_62 = arith.constant 0 : i32
      %dma_wait3A_63 = tpu.memref_slice %arg11[%add3A_52, %dma_wait3A_62] : memref<10112x128xf32, #tpu.memory_space<vmem_shared>> -> memref<120x128xf32, #tpu.memory_space<vmem_shared>>
      tpu.wait_dma2 semaphore(%run_scoped3A : memref<!tpu.dma_semaphore, #tpu.memory_space<semaphore_mem>>) src(%dma_wait3A_63 : memref<120x128xf32, #tpu.memory_space<vmem_shared>>) dst(%dma_wait3A_61 : memref<120x128xf32, #tpu.memory_space<hbm>>)
      tpu.yield
    }) : () -> ()
    return
  }
}

module attributes {stable_mosaic.version = 14 : i64} {
  func.func @_h_body(%arg0: i32, %arg1: memref<1024x128xf32, #tpu.memory_space<vmem>>, %arg2: memref<128x128xf32, #tpu.memory_space<vmem>>, %arg3: memref<1024x128xf32, #tpu.memory_space<vmem>>) attributes {dimension_semantics = [#tpu.dimension_semantics<arbitrary>], iteration_bounds = array<i64: 10>, scalar_prefetch = 0 : i64, scratch_operands = 0 : i64, tpu.core_type = #tpu.core_type<tc>, window_params = [{transform_indices = @transform_0, window_bounds = array<i64: 1024, 128>}, {pipeline_mode = #tpu.pipeline_mode<synchronous>, transform_indices = @transform_1, window_bounds = array<i64: 128, 128>}, {transform_indices = @transform_2, window_bounds = array<i64: 1024, 128>}]} {
    %get3A = arith.constant 0 : index
    %get3A_0 = arith.constant 0 : index
    %get3A_1 = vector.load %arg1[%get3A, %get3A_0] : memref<1024x128xf32, #tpu.memory_space<vmem>>, vector<1024x128xf32>
    %get3A_2 = arith.constant 0 : index
    %get3A_3 = arith.constant 0 : index
    %get3A_4 = vector.load %arg2[%get3A_2, %get3A_3] : memref<128x128xf32, #tpu.memory_space<vmem>>, vector<128x128xf32>
    %dot_general3A = arith.constant dense<0.000000e+00> : vector<1024x128xf32>
    %dot_general3A_5 = tpu.matmul %get3A_1, %get3A_4, %dot_general3A {dimension_numbers = #tpu.dot_dimension_numbers<[1], [0], [0], [1], [0, 0, 1, 1], [], []>, transpose_lhs_hint = false} : vector<1024x128xf32>, vector<128x128xf32>, vector<1024x128xf32> -> vector<1024x128xf32>
    %swap3A = arith.constant 0 : index
    %swap3A_6 = arith.constant 0 : index
    %swap3A_7 = vector.load %arg3[%swap3A, %swap3A_6] : memref<1024x128xf32, #tpu.memory_space<vmem>>, vector<1024x128xf32>
    tpu.vector_store %arg3[%swap3A, %swap3A_6], %dot_general3A_5 {strides = array<i32>} : memref<1024x128xf32, #tpu.memory_space<vmem>>, vector<1024x128xf32>,
    return
  }
  func.func @transform_0(%arg0: i32) -> (i32, i32) {
    %c0_i32 = arith.constant 0 : i32
    %c0_i32_0 = arith.constant 0 : i32
    return %arg0, %c0_i32 : i32, i32
  }
  func.func @transform_1(%arg0: i32) -> (i32, i32) {
    %c0_i32 = arith.constant 0 : i32
    %c0_i32_0 = arith.constant 0 : i32
    %c0_i32_1 = arith.constant 0 : i32
    return %c0_i32, %c0_i32_0 : i32, i32
  }
  func.func @transform_2(%arg0: i32) -> (i32, i32) {
    %c0_i32 = arith.constant 0 : i32
    %c0_i32_0 = arith.constant 0 : i32
    return %arg0, %c0_i32 : i32, i32
  }
}

module attributes {stable_mosaic.version = 14 : i64} {
  func.func @_neq_body(%arg0: i32, %arg1: memref<1xi32, #tpu.memory_space<smem>>, %arg2: memref<1024x128xf32, #tpu.memory_space<vmem>>, %arg3: memref<1024x128xf32, #tpu.memory_space<vmem>>, %arg4: memref<1024x128xf32, #tpu.memory_space<vmem>>, %arg5: memref<1024x1xf32, #tpu.memory_space<vmem>>, %arg6: memref<1x128xf32, #tpu.memory_space<vmem>>, %arg7: memref<128x128xf32, #tpu.memory_space<vmem>>, %arg8: memref<1x128xf32, #tpu.memory_space<vmem>>, %arg9: memref<256x128xf32, #tpu.memory_space<vmem>>, %arg10: memref<1x128xf32, #tpu.memory_space<vmem>>, %arg11: memref<128x128xf32, #tpu.memory_space<vmem>>, %arg12: memref<1x128xf32, #tpu.memory_space<vmem>>, %arg13: memref<1024x1xf32, #tpu.memory_space<vmem>>, %arg14: memref<10240x128xf32, #tpu.memory_space<vmem>>, %arg15: memref<1x128xf32, #tpu.memory_space<vmem>>) attributes {dimension_semantics = [#tpu.dimension_semantics<arbitrary>], iteration_bounds = array<i64: 20>, scalar_prefetch = 0 : i64, scratch_operands = 2 : i64, tpu.core_type = #tpu.core_type<tc>, window_params = [{transform_indices = @transform_0, window_bounds = array<i64: 1>}, {transform_indices = @transform_1, window_bounds = array<i64: 1024, 128>}, {transform_indices = @transform_2, window_bounds = array<i64: 1024, 128>}, {transform_indices = @transform_3, window_bounds = array<i64: 1024, 128>}, {transform_indices = @transform_4, window_bounds = array<i64: 1024, 1>}, {pipeline_mode = #tpu.pipeline_mode<synchronous>, transform_indices = @transform_5, window_bounds = array<i64: 1, 128>}, {pipeline_mode = #tpu.pipeline_mode<synchronous>, transform_indices = @transform_6, window_bounds = array<i64: 128, 128>}, {pipeline_mode = #tpu.pipeline_mode<synchronous>, transform_indices = @transform_7, window_bounds = array<i64: 1, 128>}, {pipeline_mode = #tpu.pipeline_mode<synchronous>, transform_indices = @transform_8, window_bounds = array<i64: 256, 128>}, {pipeline_mode = #tpu.pipeline_mode<synchronous>, transform_indices = @transform_9, window_bounds = array<i64: 1, 128>}, {pipeline_mode = #tpu.pipeline_mode<synchronous>, transform_indices = @transform_10, window_bounds = array<i64: 128, 128>}, {pipeline_mode = #tpu.pipeline_mode<synchronous>, transform_indices = @transform_11, window_bounds = array<i64: 1, 128>}, {transform_indices = @transform_12, window_bounds = array<i64: 1024, 1>}]} {
    %jit3A = arith.constant 10 : i32
    %eq3A = arith.constant 0 : i32
    %eq3A_0 = arith.cmpi eq, %jit3A, %eq3A : i32
    %jit3A_1 = arith.constant 1 : i32
    %select_n3A = arith.select %eq3A_0, %jit3A_1, %jit3A : i32
    %rem3A = arith.remsi %arg0, %select_n3A : i32
    %ne3A = arith.constant 0 : i32
    %ne3A_2 = arith.cmpi ne, %rem3A, %ne3A : i32
    %lt3A = arith.constant 0 : i32
    %lt3A_3 = arith.cmpi slt, %rem3A, %lt3A : i32
    %lt3A_4 = arith.constant 0 : i32
    %lt3A_5 = arith.cmpi slt, %select_n3A, %lt3A_4 : i32
    %ne3A_6 = arith.xori %lt3A_3, %lt3A_5 : i1
    %and3A = arith.andi %ne3A_6, %ne3A_2 : i1
    %add3A = arith.addi %rem3A, %select_n3A : i32
    %select_n3A_7 = arith.select %and3A, %add3A, %rem3A : i32
    %eq3A_8 = arith.constant 0 : i32
    %eq3A_9 = arith.cmpi eq, %arg0, %eq3A_8 : i32
    %convert_element_type3A = arith.extui %eq3A_9 : i1 to i32
    %cond3A = arith.constant 0 : i32
    %cond3A_10 = arith.cmpi ne, %convert_element_type3A, %cond3A : i32
    scf.if %cond3A_10 {
      %broadcast_in_dim3A = arith.constant 0.000000e+00 : f32
      %broadcast_in_dim3A_20 = vector.broadcast %broadcast_in_dim3A : f32 to vector<1x128xf32>
      %swap3A = arith.constant 0 : index
      %swap3A_21 = arith.constant 0 : index
      %swap3A_22 = vector.load %arg15[%swap3A, %swap3A_21] : memref<1x128xf32, #tpu.memory_space<vmem>>, vector<1x128xf32>
      tpu.vector_store %arg15[%swap3A, %swap3A_21], %broadcast_in_dim3A_20 {strides = array<i32>} : memref<1x128xf32, #tpu.memory_space<vmem>>, vector<1x128xf32>,
    } else {
    }
    %lt3A_11 = arith.constant 10 : i32
    %lt3A_12 = arith.cmpi slt, %arg0, %lt3A_11 : i32
    %convert_element_type3A_13 = arith.extui %lt3A_12 : i1 to i32
    %cond3A_14 = arith.constant 0 : i32
    %cond3A_15 = arith.cmpi ne, %convert_element_type3A_13, %cond3A_14 : i32
    scf.if %cond3A_15 {
      %get3A = arith.constant 0 : index
      %get3A_20 = arith.constant 0 : index
      %get3A_21 = vector.load %arg2[%get3A, %get3A_20] : memref<1024x128xf32, #tpu.memory_space<vmem>>, vector<1024x128xf32>
      %get3A_22 = arith.constant 0 : index
      %get3A_23 = arith.constant 0 : index
      %get3A_24 = vector.load %arg3[%get3A_22, %get3A_23] : memref<1024x128xf32, #tpu.memory_space<vmem>>, vector<1024x128xf32>
      %add3A_25 = arith.addf %get3A_21, %get3A_24 : vector<1024x128xf32>
      %get3A_26 = arith.constant 0 : index
      %get3A_27 = arith.constant 0 : index
      %get3A_28 = vector.load %arg4[%get3A_26, %get3A_27] : memref<1024x128xf32, #tpu.memory_space<vmem>>, vector<1024x128xf32>
      %add3A_29 = arith.addf %add3A_25, %get3A_28 : vector<1024x128xf32>
      %get3A_30 = arith.constant 0 : index
      %get3A_31 = arith.constant 0 : index
      %get3A_32 = vector.load %arg5[%get3A_30, %get3A_31] : memref<1024x1xf32, #tpu.memory_space<vmem>>, vector<1024x1xf32>
      %mul3A = vector.broadcast %get3A_32 : vector<1024x1xf32> to vector<1024x128xf32>
      %mul3A_33 = arith.mulf %add3A_29, %mul3A : vector<1024x128xf32>
      %get3A_34 = arith.constant 0 : index
      %get3A_35 = arith.constant 0 : index
      %get3A_36 = vector.load %arg6[%get3A_34, %get3A_35] : memref<1x128xf32, #tpu.memory_space<vmem>>, vector<1x128xf32>
      %add3A_37 = vector.broadcast %get3A_36 : vector<1x128xf32> to vector<1024x128xf32>
      %add3A_38 = arith.addf %mul3A_33, %add3A_37 : vector<1024x128xf32>
      %max3A = arith.constant 0.000000e+00 : f32
      %max3A_39 = vector.broadcast %max3A : f32 to vector<1024x128xf32>
      %max3A_40 = arith.maximumf %add3A_38, %max3A_39 : vector<1024x128xf32>
      %get3A_41 = arith.constant 0 : index
      %get3A_42 = arith.constant 0 : index
      %get3A_43 = vector.load %arg7[%get3A_41, %get3A_42] : memref<128x128xf32, #tpu.memory_space<vmem>>, vector<128x128xf32>
      %dot_general3A = arith.constant dense<0.000000e+00> : vector<1024x128xf32>
      %dot_general3A_44 = tpu.matmul %max3A_40, %get3A_43, %dot_general3A {dimension_numbers = #tpu.dot_dimension_numbers<[1], [0], [0], [1], [0, 0, 1, 1], [], []>, transpose_lhs_hint = false} : vector<1024x128xf32>, vector<128x128xf32>, vector<1024x128xf32> -> vector<1024x128xf32>
      %get3A_45 = arith.constant 0 : index
      %get3A_46 = arith.constant 0 : index
      %get3A_47 = vector.load %arg8[%get3A_45, %get3A_46] : memref<1x128xf32, #tpu.memory_space<vmem>>, vector<1x128xf32>
      %add3A_48 = vector.broadcast %get3A_47 : vector<1x128xf32> to vector<1024x128xf32>
      %add3A_49 = arith.addf %dot_general3A_44, %add3A_48 : vector<1024x128xf32>
      %max3A_50 = arith.constant 0.000000e+00 : f32
      %max3A_51 = vector.broadcast %max3A_50 : f32 to vector<1024x128xf32>
      %max3A_52 = arith.maximumf %add3A_49, %max3A_51 : vector<1024x128xf32>
      %mul3A_53 = arith.constant 1024 : i32
      %mul3A_54 = arith.muli %select_n3A_7, %mul3A_53 : i32
      %iota3A = tpu.iota {dimensions = array<i32: 0>} : vector<1024x1xi32>
      %add3A_55 = vector.broadcast %mul3A_54 : i32 to vector<1024x1xi32>
      %add3A_56 = arith.addi %add3A_55, %iota3A : vector<1024x1xi32>
      %lt3A_57 = arith.constant 10000 : i32
      %lt3A_58 = vector.broadcast %lt3A_57 : i32 to vector<1024x1xi32>
      %lt3A_59 = arith.cmpi slt, %add3A_56, %lt3A_58 : vector<1024x1xi32>
      %jit3A_60 = arith.constant 0.000000e+00 : f32
      %broadcast_in_dim3A = vector.shape_cast %lt3A_59 : vector<1024x1xi1> to vector<1024x1xi1>
      %broadcast_in_dim3A_61 = vector.broadcast %broadcast_in_dim3A : vector<1024x1xi1> to vector<1024x128xi1>
      %broadcast_in_dim3A_62 = vector.broadcast %jit3A_60 : f32 to vector<1024x128xf32>
      %select_n3A_63 = arith.select %broadcast_in_dim3A_61, %max3A_52, %broadcast_in_dim3A_62 : vector<1024x128xi1>, vector<1024x128xf32>
      %mul3A_64 = arith.constant 1024 : i32
      %mul3A_65 = arith.muli %select_n3A_7, %mul3A_64 : i32
      %swap3A = arith.index_cast %mul3A_65 : i32 to index
      %swap3A_66 = arith.constant 0 : index
      %swap3A_67 = vector.load %arg14[%swap3A, %swap3A_66] : memref<10240x128xf32, #tpu.memory_space<vmem>>, vector<1024x128xf32>
      tpu.vector_store %arg14[%swap3A, %swap3A_66], %select_n3A_63 {strides = array<i32>} : memref<10240x128xf32, #tpu.memory_space<vmem>>, vector<1024x128xf32>,
      %get3A_68 = arith.constant 0 : index
      %get3A_69 = arith.constant 0 : index
      %get3A_70 = vector.load %arg15[%get3A_68, %get3A_69] : memref<1x128xf32, #tpu.memory_space<vmem>>, vector<1x128xf32>
      %reduce_sum3A = arith.constant dense<0.000000e+00> : vector<128xf32>
      %reduce_sum3A_71 = vector.multi_reduction <add>, %select_n3A_63, %reduce_sum3A [0] : vector<1024x128xf32> to vector<128xf32>
      %broadcast_in_dim3A_72 = vector.shape_cast %reduce_sum3A_71 : vector<128xf32> to vector<1x128xf32>
      %add3A_73 = arith.addf %get3A_70, %broadcast_in_dim3A_72 : vector<1x128xf32>
      %swap3A_74 = arith.constant 0 : index
      %swap3A_75 = arith.constant 0 : index
      %swap3A_76 = vector.load %arg15[%swap3A_74, %swap3A_75] : memref<1x128xf32, #tpu.memory_space<vmem>>, vector<1x128xf32>
      tpu.vector_store %arg15[%swap3A_74, %swap3A_75], %add3A_73 {strides = array<i32>} : memref<1x128xf32, #tpu.memory_space<vmem>>, vector<1x128xf32>,
    } else {
    }
    %ge3A = arith.constant 10 : i32
    %ge3A_16 = arith.cmpi sge, %arg0, %ge3A : i32
    %convert_element_type3A_17 = arith.extui %ge3A_16 : i1 to i32
    %cond3A_18 = arith.constant 0 : i32
    %cond3A_19 = arith.cmpi ne, %convert_element_type3A_17, %cond3A_18 : i32
    scf.if %cond3A_19 {
      %get3A = arith.constant 0 : index
      %get3A_20 = arith.constant 0 : index
      %get3A_21 = vector.load %arg15[%get3A, %get3A_20] : memref<1x128xf32, #tpu.memory_space<vmem>>, vector<1x128xf32>
      %mul3A = arith.constant 9.99999974E-5 : f32
      %mul3A_22 = vector.broadcast %mul3A : f32 to vector<1x128xf32>
      %mul3A_23 = arith.mulf %get3A_21, %mul3A_22 : vector<1x128xf32>
      %get3A_24 = arith.constant 0 : index
      %get3A_25 = arith.constant 0 : index
      %get3A_26 = vector.load %arg9[%get3A_24, %get3A_25] : memref<256x128xf32, #tpu.memory_space<vmem>>, vector<256x128xf32>
      %slice3A = vector.extract_strided_slice %get3A_26 {offsets = [128, 0], sizes = [128, 128], strides = [1, 1]} : vector<256x128xf32> to vector<128x128xf32>
      %dot_general3A = arith.constant dense<0.000000e+00> : vector<1x128xf32>
      %dot_general3A_27 = tpu.matmul %mul3A_23, %slice3A, %dot_general3A {dimension_numbers = #tpu.dot_dimension_numbers<[1], [0], [0], [1], [0, 0, 1, 1], [], []>, transpose_lhs_hint = false} : vector<1x128xf32>, vector<128x128xf32>, vector<1x128xf32> -> vector<1x128xf32>
      %get3A_28 = arith.constant 0 : index
      %get3A_29 = arith.constant 0 : index
      %get3A_30 = vector.load %arg10[%get3A_28, %get3A_29] : memref<1x128xf32, #tpu.memory_space<vmem>>, vector<1x128xf32>
      %add3A_31 = arith.addf %dot_general3A_27, %get3A_30 : vector<1x128xf32>
      %get3A_32 = arith.constant 0 : index
      %get3A_33 = memref.load %arg1[%get3A_32] : memref<1xi32, #tpu.memory_space<smem>>
      %get3A_34 = arith.index_cast %get3A_33 : i32 to index
      %get3A_35 = arith.constant 0 : index
      %get3A_36 = vector.load %arg14[%get3A_34, %get3A_35] : memref<10240x128xf32, #tpu.memory_space<vmem>>, vector<1x128xf32>
      %get3A_37 = arith.constant 0 : index
      %get3A_38 = arith.constant 0 : index
      %get3A_39 = vector.load %arg11[%get3A_37, %get3A_38] : memref<128x128xf32, #tpu.memory_space<vmem>>, vector<128x128xf32>
      %dot_general3A_40 = arith.constant dense<0.000000e+00> : vector<128x1xf32>
      %dot_general3A_41 = tpu.matmul %get3A_39, %get3A_36, %dot_general3A_40 {dimension_numbers = #tpu.dot_dimension_numbers<[1], [1], [0], [0], [0, 0, 1, 0], [], []>, transpose_lhs_hint = false} : vector<128x128xf32>, vector<1x128xf32>, vector<128x1xf32> -> vector<128x1xf32>
      %get3A_42 = arith.constant 0 : index
      %get3A_43 = arith.constant 0 : index
      %get3A_44 = vector.load %arg12[%get3A_42, %get3A_43] : memref<1x128xf32, #tpu.memory_space<vmem>>, vector<1x128xf32>
      %dot_general3A_45 = arith.constant dense<0.000000e+00> : vector<1x1xf32>
      %dot_general3A_46 = tpu.matmul %get3A_44, %get3A_36, %dot_general3A_45 {dimension_numbers = #tpu.dot_dimension_numbers<[1], [1], [0], [0], [0, 0, 1, 0], [], []>, transpose_lhs_hint = false} : vector<1x128xf32>, vector<1x128xf32>, vector<1x1xf32> -> vector<1x1xf32>
      %mul3A_47 = arith.constant 1024 : i32
      %mul3A_48 = arith.muli %select_n3A_7, %mul3A_47 : i32
      %get3A_49 = arith.index_cast %mul3A_48 : i32 to index
      %get3A_50 = arith.constant 0 : index
      %get3A_51 = vector.load %arg14[%get3A_49, %get3A_50] : memref<10240x128xf32, #tpu.memory_space<vmem>>, vector<1024x128xf32>
      %slice3A_52 = vector.extract_strided_slice %get3A_26 {offsets = [0, 0], sizes = [128, 128], strides = [1, 1]} : vector<256x128xf32> to vector<128x128xf32>
      %dot_general3A_53 = arith.constant dense<0.000000e+00> : vector<1024x128xf32>
      %dot_general3A_54 = tpu.matmul %get3A_51, %slice3A_52, %dot_general3A_53 {dimension_numbers = #tpu.dot_dimension_numbers<[1], [0], [0], [1], [0, 0, 1, 1], [], []>, transpose_lhs_hint = false} : vector<1024x128xf32>, vector<128x128xf32>, vector<1024x128xf32> -> vector<1024x128xf32>
      %add3A_55 = vector.broadcast %add3A_31 : vector<1x128xf32> to vector<1024x128xf32>
      %add3A_56 = arith.addf %dot_general3A_54, %add3A_55 : vector<1024x128xf32>
      %max3A = arith.constant 0.000000e+00 : f32
      %max3A_57 = vector.broadcast %max3A : f32 to vector<1024x128xf32>
      %max3A_58 = arith.maximumf %add3A_56, %max3A_57 : vector<1024x128xf32>
      %dot_general3A_59 = arith.constant dense<0.000000e+00> : vector<1024x1xf32>
      %dot_general3A_60 = tpu.matmul %max3A_58, %dot_general3A_41, %dot_general3A_59 {dimension_numbers = #tpu.dot_dimension_numbers<[1], [0], [0], [1], [0, 0, 1, 1], [], []>, transpose_lhs_hint = false} : vector<1024x128xf32>, vector<128x1xf32>, vector<1024x1xf32> -> vector<1024x1xf32>
      %add3A_61 = vector.broadcast %dot_general3A_46 : vector<1x1xf32> to vector<1024x1xf32>
      %add3A_62 = arith.addf %dot_general3A_60, %add3A_61 : vector<1024x1xf32>
      %swap3A = arith.constant 0 : index
      %swap3A_63 = arith.constant 0 : index
      %swap3A_64 = vector.load %arg13[%swap3A, %swap3A_63] : memref<1024x1xf32, #tpu.memory_space<vmem>>, vector<1024x1xf32>
      tpu.vector_store %arg13[%swap3A, %swap3A_63], %add3A_62 {strides = array<i32>} : memref<1024x1xf32, #tpu.memory_space<vmem>>, vector<1024x1xf32>,
    } else {
    }
    return
  }
  func.func @transform_0(%arg0: i32) -> i32 {
    %c0_i32 = arith.constant 0 : i32
    %c0_i32_0 = arith.constant 0 : i32
    return %c0_i32 : i32
  }
  func.func @transform_1(%arg0: i32) -> (i32, i32) {
    %jit3A = arith.constant 10 : i32
    %eq3A = arith.constant 0 : i32
    %eq3A_0 = arith.cmpi eq, %jit3A, %eq3A : i32
    %jit3A_1 = arith.constant 1 : i32
    %select_n3A = arith.select %eq3A_0, %jit3A_1, %jit3A : i32
    %rem3A = arith.remsi %arg0, %select_n3A : i32
    %ne3A = arith.constant 0 : i32
    %ne3A_2 = arith.cmpi ne, %rem3A, %ne3A : i32
    %lt3A = arith.constant 0 : i32
    %lt3A_3 = arith.cmpi slt, %rem3A, %lt3A : i32
    %lt3A_4 = arith.constant 0 : i32
    %lt3A_5 = arith.cmpi slt, %select_n3A, %lt3A_4 : i32
    %ne3A_6 = arith.xori %lt3A_3, %lt3A_5 : i1
    %and3A = arith.andi %ne3A_6, %ne3A_2 : i1
    %add3A = arith.addi %rem3A, %select_n3A : i32
    %select_n3A_7 = arith.select %and3A, %add3A, %rem3A : i32
    %c0_i32 = arith.constant 0 : i32
    %c0_i32_8 = arith.constant 0 : i32
    return %select_n3A_7, %c0_i32 : i32, i32
  }
  func.func @transform_2(%arg0: i32) -> (i32, i32) {
    %jit3A = arith.constant 10 : i32
    %eq3A = arith.constant 0 : i32
    %eq3A_0 = arith.cmpi eq, %jit3A, %eq3A : i32
    %jit3A_1 = arith.constant 1 : i32
    %select_n3A = arith.select %eq3A_0, %jit3A_1, %jit3A : i32
    %rem3A = arith.remsi %arg0, %select_n3A : i32
    %ne3A = arith.constant 0 : i32
    %ne3A_2 = arith.cmpi ne, %rem3A, %ne3A : i32
    %lt3A = arith.constant 0 : i32
    %lt3A_3 = arith.cmpi slt, %rem3A, %lt3A : i32
    %lt3A_4 = arith.constant 0 : i32
    %lt3A_5 = arith.cmpi slt, %select_n3A, %lt3A_4 : i32
    %ne3A_6 = arith.xori %lt3A_3, %lt3A_5 : i1
    %and3A = arith.andi %ne3A_6, %ne3A_2 : i1
    %add3A = arith.addi %rem3A, %select_n3A : i32
    %select_n3A_7 = arith.select %and3A, %add3A, %rem3A : i32
    %add3A_8 = arith.constant 10 : i32
    %add3A_9 = arith.addi %select_n3A_7, %add3A_8 : i32
    %c0_i32 = arith.constant 0 : i32
    %c0_i32_10 = arith.constant 0 : i32
    return %add3A_9, %c0_i32 : i32, i32
  }
  func.func @transform_3(%arg0: i32) -> (i32, i32) {
    %jit3A = arith.constant 10 : i32
    %eq3A = arith.constant 0 : i32
    %eq3A_0 = arith.cmpi eq, %jit3A, %eq3A : i32
    %jit3A_1 = arith.constant 1 : i32
    %select_n3A = arith.select %eq3A_0, %jit3A_1, %jit3A : i32
    %rem3A = arith.remsi %arg0, %select_n3A : i32
    %ne3A = arith.constant 0 : i32
    %ne3A_2 = arith.cmpi ne, %rem3A, %ne3A : i32
    %lt3A = arith.constant 0 : i32
    %lt3A_3 = arith.cmpi slt, %rem3A, %lt3A : i32
    %lt3A_4 = arith.constant 0 : i32
    %lt3A_5 = arith.cmpi slt, %select_n3A, %lt3A_4 : i32
    %ne3A_6 = arith.xori %lt3A_3, %lt3A_5 : i1
    %and3A = arith.andi %ne3A_6, %ne3A_2 : i1
    %add3A = arith.addi %rem3A, %select_n3A : i32
    %select_n3A_7 = arith.select %and3A, %add3A, %rem3A : i32
    %c0_i32 = arith.constant 0 : i32
    %c0_i32_8 = arith.constant 0 : i32
    return %select_n3A_7, %c0_i32 : i32, i32
  }
  func.func @transform_4(%arg0: i32) -> (i32, i32) {
    %jit3A = arith.constant 10 : i32
    %eq3A = arith.constant 0 : i32
    %eq3A_0 = arith.cmpi eq, %jit3A, %eq3A : i32
    %jit3A_1 = arith.constant 1 : i32
    %select_n3A = arith.select %eq3A_0, %jit3A_1, %jit3A : i32
    %rem3A = arith.remsi %arg0, %select_n3A : i32
    %ne3A = arith.constant 0 : i32
    %ne3A_2 = arith.cmpi ne, %rem3A, %ne3A : i32
    %lt3A = arith.constant 0 : i32
    %lt3A_3 = arith.cmpi slt, %rem3A, %lt3A : i32
    %lt3A_4 = arith.constant 0 : i32
    %lt3A_5 = arith.cmpi slt, %select_n3A, %lt3A_4 : i32
    %ne3A_6 = arith.xori %lt3A_3, %lt3A_5 : i1
    %and3A = arith.andi %ne3A_6, %ne3A_2 : i1
    %add3A = arith.addi %rem3A, %select_n3A : i32
    %select_n3A_7 = arith.select %and3A, %add3A, %rem3A : i32
    %c0_i32 = arith.constant 0 : i32
    %c0_i32_8 = arith.constant 0 : i32
    return %select_n3A_7, %c0_i32 : i32, i32
  }
  func.func @transform_5(%arg0: i32) -> (i32, i32) {
    %c0_i32 = arith.constant 0 : i32
    %c0_i32_0 = arith.constant 0 : i32
    %c0_i32_1 = arith.constant 0 : i32
    return %c0_i32, %c0_i32_0 : i32, i32
  }
  func.func @transform_6(%arg0: i32) -> (i32, i32) {
    %c0_i32 = arith.constant 0 : i32
    %c0_i32_0 = arith.constant 0 : i32
    %c0_i32_1 = arith.constant 0 : i32
    return %c0_i32, %c0_i32_0 : i32, i32
  }
  func.func @transform_7(%arg0: i32) -> (i32, i32) {
    %c0_i32 = arith.constant 0 : i32
    %c0_i32_0 = arith.constant 0 : i32
    %c0_i32_1 = arith.constant 0 : i32
    return %c0_i32, %c0_i32_0 : i32, i32
  }
  func.func @transform_8(%arg0: i32) -> (i32, i32) {
    %c0_i32 = arith.constant 0 : i32
    %c0_i32_0 = arith.constant 0 : i32
    %c0_i32_1 = arith.constant 0 : i32
    return %c0_i32, %c0_i32_0 : i32, i32
  }
  func.func @transform_9(%arg0: i32) -> (i32, i32) {
    %c0_i32 = arith.constant 0 : i32
    %c0_i32_0 = arith.constant 0 : i32
    %c0_i32_1 = arith.constant 0 : i32
    return %c0_i32, %c0_i32_0 : i32, i32
  }
  func.func @transform_10(%arg0: i32) -> (i32, i32) {
    %c0_i32 = arith.constant 0 : i32
    %c0_i32_0 = arith.constant 0 : i32
    %c0_i32_1 = arith.constant 0 : i32
    return %c0_i32, %c0_i32_0 : i32, i32
  }
  func.func @transform_11(%arg0: i32) -> (i32, i32) {
    %c0_i32 = arith.constant 0 : i32
    %c0_i32_0 = arith.constant 0 : i32
    %c0_i32_1 = arith.constant 0 : i32
    return %c0_i32, %c0_i32_0 : i32, i32
  }
  func.func @transform_12(%arg0: i32) -> (i32, i32) {
    %lt3A = arith.constant 10 : i32
    %lt3A_0 = arith.cmpi slt, %arg0, %lt3A : i32
    %sub3A = arith.constant 10 : i32
    %sub3A_1 = arith.subi %arg0, %sub3A : i32
    %jit3A = arith.constant 0 : i32
    %select_n3A = arith.select %lt3A_0, %jit3A, %sub3A_1 : i32
    %c0_i32 = arith.constant 0 : i32
    %c0_i32_2 = arith.constant 0 : i32
    return %select_n3A, %c0_i32 : i32, i32
  }
}

module attributes {stable_mosaic.version = 14 : i64} {
  func.func @_hs_body(%arg0: i32, %arg1: memref<1024x128xf32, #tpu.memory_space<vmem>>, %arg2: memref<32x1024xf32, #tpu.memory_space<vmem>>, %arg3: memref<1024x128xf32, #tpu.memory_space<vmem>>, %arg4: memref<1024x128xf32, #tpu.memory_space<vmem>>, %arg5: memref<1024x1xf32, #tpu.memory_space<vmem>>) attributes {dimension_semantics = [#tpu.dimension_semantics<arbitrary>], iteration_bounds = array<i64: 10>, scalar_prefetch = 0 : i64, scratch_operands = 0 : i64, tpu.core_type = #tpu.core_type<tc>, window_params = [{transform_indices = @transform_0, window_bounds = array<i64: 1024, 128>}, {transform_indices = @transform_1, window_bounds = array<i64: 32, 1024>}, {transform_indices = @transform_2, window_bounds = array<i64: 1024, 128>}, {transform_indices = @transform_3, window_bounds = array<i64: 1024, 128>}, {transform_indices = @transform_4, window_bounds = array<i64: 1024, 1>}]} {
    %get3A = arith.constant 0 : index
    %get3A_0 = arith.constant 0 : index
    %get3A_1 = vector.load %arg2[%get3A, %get3A_0] : memref<32x1024xf32, #tpu.memory_space<vmem>>, vector<32x1024xf32>
    %reduce_sum3A = arith.constant dense<0.000000e+00> : vector<1024xf32>
    %reduce_sum3A_2 = vector.multi_reduction <add>, %get3A_1, %reduce_sum3A [0] : vector<32x1024xf32> to vector<1024xf32>
    %broadcast_in_dim3A = vector.shape_cast %reduce_sum3A_2 : vector<1024xf32> to vector<1x1024xf32>
    %add3A = arith.constant 1.000000e+00 : f32
    %add3A_3 = vector.broadcast %add3A : f32 to vector<1x1024xf32>
    %add3A_4 = arith.addf %broadcast_in_dim3A, %add3A_3 : vector<1x1024xf32>
    %iota3A = tpu.iota {dimensions = array<i32: 0>} : vector<128x128xi32>
    %iota3A_5 = tpu.iota {dimensions = array<i32: 1>} : vector<128x128xi32>
    %eq3A = arith.cmpi eq, %iota3A, %iota3A_5 : vector<128x128xi32>
    %convert_element_type3A = arith.extui %eq3A : vector<128x128xi1> to vector<128x128xi32>
    %convert_element_type3A_6 = arith.sitofp %convert_element_type3A : vector<128x128xi32> to vector<128x128xf32>
    %slice3A = vector.extract_strided_slice %add3A_4 {offsets = [0, 0], sizes = [1, 128], strides = [1, 1]} : vector<1x1024xf32> to vector<1x128xf32>
    %dot_general3A = arith.constant dense<0.000000e+00> : vector<128x1xf32>
    %dot_general3A_7 = tpu.matmul %convert_element_type3A_6, %slice3A, %dot_general3A {dimension_numbers = #tpu.dot_dimension_numbers<[1], [1], [0], [0], [0, 0, 1, 0], [], []>, transpose_lhs_hint = false} : vector<128x128xf32>, vector<1x128xf32>, vector<128x1xf32> -> vector<128x1xf32>
    %slice3A_8 = vector.extract_strided_slice %add3A_4 {offsets = [0, 128], sizes = [1, 128], strides = [1, 1]} : vector<1x1024xf32> to vector<1x128xf32>
    %dot_general3A_9 = arith.constant dense<0.000000e+00> : vector<128x1xf32>
    %dot_general3A_10 = tpu.matmul %convert_element_type3A_6, %slice3A_8, %dot_general3A_9 {dimension_numbers = #tpu.dot_dimension_numbers<[1], [1], [0], [0], [0, 0, 1, 0], [], []>, transpose_lhs_hint = false} : vector<128x128xf32>, vector<1x128xf32>, vector<128x1xf32> -> vector<128x1xf32>
    %slice3A_11 = vector.extract_strided_slice %add3A_4 {offsets = [0, 256], sizes = [1, 128], strides = [1, 1]} : vector<1x1024xf32> to vector<1x128xf32>
    %dot_general3A_12 = arith.constant dense<0.000000e+00> : vector<128x1xf32>
    %dot_general3A_13 = tpu.matmul %convert_element_type3A_6, %slice3A_11, %dot_general3A_12 {dimension_numbers = #tpu.dot_dimension_numbers<[1], [1], [0], [0], [0, 0, 1, 0], [], []>, transpose_lhs_hint = false} : vector<128x128xf32>, vector<1x128xf32>, vector<128x1xf32> -> vector<128x1xf32>
    %slice3A_14 = vector.extract_strided_slice %add3A_4 {offsets = [0, 384], sizes = [1, 128], strides = [1, 1]} : vector<1x1024xf32> to vector<1x128xf32>
    %dot_general3A_15 = arith.constant dense<0.000000e+00> : vector<128x1xf32>
    %dot_general3A_16 = tpu.matmul %convert_element_type3A_6, %slice3A_14, %dot_general3A_15 {dimension_numbers = #tpu.dot_dimension_numbers<[1], [1], [0], [0], [0, 0, 1, 0], [], []>, transpose_lhs_hint = false} : vector<128x128xf32>, vector<1x128xf32>, vector<128x1xf32> -> vector<128x1xf32>
    %slice3A_17 = vector.extract_strided_slice %add3A_4 {offsets = [0, 512], sizes = [1, 128], strides = [1, 1]} : vector<1x1024xf32> to vector<1x128xf32>
    %dot_general3A_18 = arith.constant dense<0.000000e+00> : vector<128x1xf32>
    %dot_general3A_19 = tpu.matmul %convert_element_type3A_6, %slice3A_17, %dot_general3A_18 {dimension_numbers = #tpu.dot_dimension_numbers<[1], [1], [0], [0], [0, 0, 1, 0], [], []>, transpose_lhs_hint = false} : vector<128x128xf32>, vector<1x128xf32>, vector<128x1xf32> -> vector<128x1xf32>
    %slice3A_20 = vector.extract_strided_slice %add3A_4 {offsets = [0, 640], sizes = [1, 128], strides = [1, 1]} : vector<1x1024xf32> to vector<1x128xf32>
    %dot_general3A_21 = arith.constant dense<0.000000e+00> : vector<128x1xf32>
    %dot_general3A_22 = tpu.matmul %convert_element_type3A_6, %slice3A_20, %dot_general3A_21 {dimension_numbers = #tpu.dot_dimension_numbers<[1], [1], [0], [0], [0, 0, 1, 0], [], []>, transpose_lhs_hint = false} : vector<128x128xf32>, vector<1x128xf32>, vector<128x1xf32> -> vector<128x1xf32>
    %slice3A_23 = vector.extract_strided_slice %add3A_4 {offsets = [0, 768], sizes = [1, 128], strides = [1, 1]} : vector<1x1024xf32> to vector<1x128xf32>
    %dot_general3A_24 = arith.constant dense<0.000000e+00> : vector<128x1xf32>
    %dot_general3A_25 = tpu.matmul %convert_element_type3A_6, %slice3A_23, %dot_general3A_24 {dimension_numbers = #tpu.dot_dimension_numbers<[1], [1], [0], [0], [0, 0, 1, 0], [], []>, transpose_lhs_hint = false} : vector<128x128xf32>, vector<1x128xf32>, vector<128x1xf32> -> vector<128x1xf32>
    %slice3A_26 = vector.extract_strided_slice %add3A_4 {offsets = [0, 896], sizes = [1, 128], strides = [1, 1]} : vector<1x1024xf32> to vector<1x128xf32>
    %dot_general3A_27 = arith.constant dense<0.000000e+00> : vector<128x1xf32>
    %dot_general3A_28 = tpu.matmul %convert_element_type3A_6, %slice3A_26, %dot_general3A_27 {dimension_numbers = #tpu.dot_dimension_numbers<[1], [1], [0], [0], [0, 0, 1, 0], [], []>, transpose_lhs_hint = false} : vector<128x128xf32>, vector<1x128xf32>, vector<128x1xf32> -> vector<128x1xf32>
    %concatenate3A = tpu.concatenate %dot_general3A_7, %dot_general3A_10, %dot_general3A_13, %dot_general3A_16, %dot_general3A_19, %dot_general3A_22, %dot_general3A_25, %dot_general3A_28 in 0 : vector<128x1xf32>, vector<128x1xf32>, vector<128x1xf32>, vector<128x1xf32>, vector<128x1xf32>, vector<128x1xf32>, vector<128x1xf32>, vector<128x1xf32> -> vector<1024x1xf32>
    %rsqrt3A = math.rsqrt %concatenate3A : vector<1024x1xf32>
    %mul3A = arith.constant 1024 : i32
    %mul3A_29 = arith.muli %arg0, %mul3A : i32
    %iota3A_30 = tpu.iota {dimensions = array<i32: 0>} : vector<1024x1xi32>
    %add3A_31 = vector.broadcast %mul3A_29 : i32 to vector<1024x1xi32>
    %add3A_32 = arith.addi %add3A_31, %iota3A_30 : vector<1024x1xi32>
    %lt3A = arith.constant 10000 : i32
    %lt3A_33 = vector.broadcast %lt3A : i32 to vector<1024x1xi32>
    %lt3A_34 = arith.cmpi slt, %add3A_32, %lt3A_33 : vector<1024x1xi32>
    %jit3A = arith.constant 1.000000e+00 : f32
    %broadcast_in_dim3A_35 = vector.broadcast %jit3A : f32 to vector<1024x1xf32>
    %select_n3A = arith.select %lt3A_34, %rsqrt3A, %broadcast_in_dim3A_35 : vector<1024x1xi1>, vector<1024x1xf32>
    %get3A_36 = arith.constant 0 : index
    %get3A_37 = arith.constant 0 : index
    %get3A_38 = vector.load %arg1[%get3A_36, %get3A_37] : memref<1024x128xf32, #tpu.memory_space<vmem>>, vector<1024x128xf32>
    %mul3A_39 = vector.broadcast %select_n3A : vector<1024x1xf32> to vector<1024x128xf32>
    %mul3A_40 = arith.mulf %get3A_38, %mul3A_39 : vector<1024x128xf32>
    %jit3A_41 = arith.constant 0.000000e+00 : f32
    %broadcast_in_dim3A_42 = vector.shape_cast %lt3A_34 : vector<1024x1xi1> to vector<1024x1xi1>
    %broadcast_in_dim3A_43 = vector.broadcast %broadcast_in_dim3A_42 : vector<1024x1xi1> to vector<1024x128xi1>
    %broadcast_in_dim3A_44 = vector.broadcast %jit3A_41 : f32 to vector<1024x128xf32>
    %select_n3A_45 = arith.select %broadcast_in_dim3A_43, %mul3A_40, %broadcast_in_dim3A_44 : vector<1024x128xi1>, vector<1024x128xf32>
    %swap3A = arith.constant 0 : index
    %swap3A_46 = arith.constant 0 : index
    %swap3A_47 = vector.load %arg3[%swap3A, %swap3A_46] : memref<1024x128xf32, #tpu.memory_space<vmem>>, vector<1024x128xf32>
    tpu.vector_store %arg3[%swap3A, %swap3A_46], %select_n3A_45 {strides = array<i32>} : memref<1024x128xf32, #tpu.memory_space<vmem>>, vector<1024x128xf32>,
    %swap3A_48 = arith.constant 0 : index
    %swap3A_49 = arith.constant 0 : index
    %swap3A_50 = vector.load %arg4[%swap3A_48, %swap3A_49] : memref<1024x128xf32, #tpu.memory_space<vmem>>, vector<1024x128xf32>
    tpu.vector_store %arg4[%swap3A_48, %swap3A_49], %select_n3A_45 {strides = array<i32>} : memref<1024x128xf32, #tpu.memory_space<vmem>>, vector<1024x128xf32>,
    %swap3A_51 = arith.constant 0 : index
    %swap3A_52 = arith.constant 0 : index
    %swap3A_53 = vector.load %arg5[%swap3A_51, %swap3A_52] : memref<1024x1xf32, #tpu.memory_space<vmem>>, vector<1024x1xf32>
    tpu.vector_store %arg5[%swap3A_51, %swap3A_52], %select_n3A {strides = array<i32>} : memref<1024x1xf32, #tpu.memory_space<vmem>>, vector<1024x1xf32>,
    return
  }
  func.func @transform_0(%arg0: i32) -> (i32, i32) {
    %c0_i32 = arith.constant 0 : i32
    %c0_i32_0 = arith.constant 0 : i32
    return %arg0, %c0_i32 : i32, i32
  }
  func.func @transform_1(%arg0: i32) -> (i32, i32) {
    %c0_i32 = arith.constant 0 : i32
    %c0_i32_0 = arith.constant 0 : i32
    return %c0_i32, %arg0 : i32, i32
  }
  func.func @transform_2(%arg0: i32) -> (i32, i32) {
    %c0_i32 = arith.constant 0 : i32
    %c0_i32_0 = arith.constant 0 : i32
    return %arg0, %c0_i32 : i32, i32
  }
  func.func @transform_3(%arg0: i32) -> (i32, i32) {
    %c0_i32 = arith.constant 0 : i32
    %c0_i32_0 = arith.constant 0 : i32
    return %arg0, %c0_i32 : i32, i32
  }
  func.func @transform_4(%arg0: i32) -> (i32, i32) {
    %c0_i32 = arith.constant 0 : i32
    %c0_i32_0 = arith.constant 0 : i32
    return %arg0, %c0_i32 : i32, i32
  }
}

</mosaic_0001>

<sc_bundles>
// kernel: kernel.10.cloned.1.call-start
scs
__scs_entry_jumppad:
0x0: {  	(pc) =	sbr.rel $0x88, $3  }
0x1: {  	(tag) =	ssettag $0x0;
	lr =	simm.s32 $0x1  }
0x2: {  	[smem:$0x3F96] =	sst lr;
	_ =	strace $0xD0000000  }
0x3: {  	_ = 	snop  }
0x4: {  	_ = 	snop  }
0x5: {  	_ = 	snop  }
0x6: {  	_ = 	snop  }
0x7: {  	_ = 	snop  }
__scs_overlays_trampoline_lowered:
0x8: {  	[smem:$0x3FA5] =	sst s0  }
0x9: {  	[smem:$0x3FA6] =	sst s1  }
0xa: {  	[smem:$0x3FA7] =	sst s2  }
0xb: {  	[smem:$0x3FA8] =	sst s3  }
0xc: {  	[smem:$0x3FA9] =	sst s4  }
0xd: {  	[smem:$0x3FAA] =	sst s5  }
0xe: {  	[smem:$0x3FAB] =	sst s6  }
0xf: {  	[smem:$0x3FAC] =	sst s7  }
0x10: {  	[smem:$0x3FAD] =	sst s8  }
0x11: {  	[smem:$0x3FAE] =	sst s9;
	s0 =	simm.s32 @!p0 $0x0  }
0x12: {  	s1 =	sld [smem:$0x3F94];
	s0 =	simm.s32 @p0 $0x1  }
0x13: {  	[smem:$0x3FAF] =	sst s0;
	s0 =	simm.s32 @!p1 $0x0  }
0x14: {  	s2 =	sld [smem:$0x3F93];
	s0 =	simm.s32 @p1 $0x1  }
0x15: {  	[smem:$0x3FB0] =	sst s0;
	s0 =	simm.s32 @!p2 $0x0  }
0x16: {  	s3 =	sld [smem:$0x3FDB];
	s0 =	simm.s32 @p2 $0x1  }
0x17: {  	s4 =	simm.s32 $0x1BF5;
	[smem:$0x3FB2] =	sst s0  }
0x18: {  	s0 =	sld [smem:$0x3F95];
	_ =	swait.ge [sflag:s4], $0x0  }
0x19: {  	s7 =	sld [smem:$0x3F96]  }
0x1a: {  	s8 =	sadd.s32 $0xFFFFE003, lr  }
0x1b: {  	s9 =	sadd.s32 $0xFFFFFEF7, lr;
	s5 =	simm.s32 $0xFFFFFFFF;
	p2 =	slt.u32 s8, $0xFFFFF086  }
0x1c: {  	p1 =	slt.u32 s9, $0xF7A;
	s5 =	simm.s32 @!p2 $0x0  }
0x1d: {  	s5 =	simm.s32 @p1 $0x1;
	p0 =	seq.s32 s7, s2  }
0x1e: {  	s7 =	smul.u32 @!p0 $0xF7A, s2;
	p2 =	seq.s32 @!p0 s5, $0x0  }
0x1f: {  	s9 =	smul.u32 $0xF7A, s1;
	s8 =	simm.s32 @!p0 $0x1BF5;
	p2 =	por !p2, p0  }
0x20: {  	[sflag:s8] =	ssyncset.s32 @!p0 $0xFFFFF086;
	s6 =	sadd.s32 @!p0 s3, s7;
	s7 =	simm.s32 @!p0 $0x108  }
0x21: {  	s3 =	sadd.s32 s3, s9;
	s6 =	sadd.s32 @!p0 $0x88, s6;
	s7 =	simm.s32 @p2 $0x1082  }
0x22: {  	[simem:s7], [sflag:s8] =	dma.local @!p0 [hbm:s6], $0xF7A  }
0x23: {  	s9 =	sor.u32 $0xD0000000, s2;
	s6 =	simm.s32 $0x108;
	_ =	swait.ge @!p0 [sflag:s8], $0x0  }
0x24: {  	s3 =	sadd.s32 $0x88, s3;
	s6 =	simm.s32 @!p1 $0x1082;
	[sflag:s4] =	ssyncset.s32 $0xFFFFF086  }
0x25: {  	[simem:s6], [sflag:s4] =	dma.local [hbm:s3], $0xF7A  }
0x26: {  	[smem:$0x3F96] =	sst s1;
	(tag) =	ssettag s2;
	_ =	strace s9  }
0x27: {  	s1 =	sld [smem:$0x3FA6]  }
0x28: {  	s2 =	sld [smem:$0x3FA7]  }
0x29: {  	s4 =	sld [smem:$0x3FA9]  }
0x2a: {  	p0 =	seq.s32 s5, $0x0;
	s5 =	sld [smem:$0x3FAA]  }
0x2b: {  	s6 =	sld [smem:$0x3FAB]  }
0x2c: {  	s7 =	sld [smem:$0x3FAC]  }
0x2d: {  	s3 =	simm.s32 $0x108;
	s8 =	sld [smem:$0x3FAD]  }
0x2e: {  	s3 =	simm.s32 @!p0 $0x1082;
	s9 =	sld [smem:$0x3FAE]  }
0x2f: {  	lr =	sadd.s32 s0, s3;
	s0 =	sld [smem:$0x3FA5]  }
0x30: {  	s3 =	sld [smem:$0x3FA8]  }
0x31: {  	[smem:$0x3FB1] =	sst s10  }
0x32: {  	s10 =	sld [smem:$0x3FAF];
	_ =	sdelay $0x3  }
0x33: {  	p0 =	seq.s32 s10, $0x1;
	s10 =	sld [smem:$0x3FB1];
	_ =	sdelay $0x3  }
0x34: {  	[smem:$0x3FB1] =	sst s10  }
0x35: {  	s10 =	sld [smem:$0x3FB0];
	_ =	sdelay $0x3  }
0x36: {  	p1 =	seq.s32 s10, $0x1;
	s10 =	sld [smem:$0x3FB1];
	_ =	sdelay $0x3  }
0x37: {  	[smem:$0x3FB1] =	sst s10  }
0x38: {  	s10 =	sld [smem:$0x3FB2]  }
0x39: {  	_ = 	snop;
	(pc) =	sbr.ind lr, $3  }
0x3a: {  	_ = 	snop  }
0x3b: {  	_ = 	snop  }
0x3c: {  	p2 =	seq.s32 s10, $0x1;
	s10 =	sld [smem:$0x3FB1]  }
0x3d: {  	_ =	shalt  }
0x3e: {  	_ =	shalt  }
0x3f: {  	_ =	shalt  }
0x40: {  	_ =	shalt  }
0x41: {  	_ =	shalt  }
0x42: {  	_ =	shalt  }
0x43: {  	_ =	shalt  }
0x44: {  	_ =	shalt  }
0x45: {  	_ =	shalt  }
0x46: {  	_ =	shalt  }
0x47: {  	_ =	shalt  }
0x48: {  	_ =	shalt  }
0x49: {  	_ =	shalt  }
0x4a: {  	_ =	shalt  }
0x4b: {  	_ =	shalt  }
0x4c: {  	_ =	shalt  }
0x4d: {  	_ =	shalt  }
0x4e: {  	_ =	shalt  }
0x4f: {  	_ =	shalt  }
0x50: {  	_ =	shalt  }
0x51: {  	_ =	shalt  }
0x52: {  	_ =	shalt  }
0x53: {  	_ =	shalt  }
0x54: {  	_ =	shalt  }
0x55: {  	_ =	shalt  }
0x56: {  	_ =	shalt  }
0x57: {  	_ =	shalt  }
0x58: {  	_ =	shalt  }
0x59: {  	_ =	shalt  }
0x5a: {  	_ =	shalt  }
0x5b: {  	_ =	shalt  }
0x5c: {  	_ =	shalt  }
0x5d: {  	_ =	shalt  }
0x5e: {  	_ =	shalt  }
0x5f: {  	_ =	shalt  }
0x60: {  	_ =	shalt  }
0x61: {  	_ =	shalt  }
0x62: {  	_ =	shalt  }
0x63: {  	_ =	shalt  }
0x64: {  	_ =	shalt  }
0x65: {  	_ =	shalt  }
0x66: {  	_ =	shalt  }
0x67: {  	_ =	shalt  }
0x68: {  	_ =	shalt  }
0x69: {  	_ =	shalt  }
0x6a: {  	_ =	shalt  }
0x6b: {  	_ =	shalt  }
0x6c: {  	_ =	shalt  }
0x6d: {  	_ =	shalt  }
0x6e: {  	_ =	shalt  }
0x6f: {  	_ =	shalt  }
0x70: {  	_ =	shalt  }
0x71: {  	_ =	shalt  }
0x72: {  	_ =	shalt  }
0x73: {  	_ =	shalt  }
0x74: {  	_ =	shalt  }
0x75: {  	_ =	shalt  }
0x76: {  	_ =	shalt  }
0x77: {  	_ =	shalt  }
0x78: {  	_ =	shalt  }
0x79: {  	_ =	shalt  }
0x7a: {  	_ =	shalt  }
0x7b: {  	_ =	shalt  }
0x7c: {  	_ =	shalt  }
0x7d: {  	_ =	shalt  }
0x7e: {  	_ =	shalt  }
0x7f: {  	_ =	shalt  }
0x80: {  	_ =	shalt  }
0x81: {  	_ =	shalt  }
0x82: {  	_ =	shalt  }
0x83: {  	_ =	shalt  }
0x84: {  	_ =	shalt  }
0x85: {  	_ =	shalt  }
0x86: {  	_ =	shalt  }
0x87: {  	_ =	shalt  }
.Lfunc_end0:
.L_simem_size_0:
called_computation.1_lowered:
.L_overlay_start_0:
0x88: {  	s2 =	sld [smem:$0x3FD9]  }
0x89: {  	s3 =	sld [smem:$0x3FFE];
	_ =	sdelay $0x1  }
0x8a: {  	s1 =	srdreg.scid  }
0x8b: {  	s0 =	sand.u32 $0x1, s1  }
0x8c: {  	s16 =	sshll.u32 s0, $0xA;
	s2 =	sadd.s32 s3, s2  }
0x8d: {  	s2 =	sadd.s32 s2, s16  }
0x8e: {  	[smem:$0x3FBD] =	sst s2  }
0x8f: {  	_ = 	snop  }
0x90: {  	(tm) =	ssettm $0x1  }
0x91: {  	s17 =	sld [smem:$0x3FFB];
	_ =	sdelay $0x3  }
0x92: {  	_ =	strace s17  }
0x93: {  	s2 =	sld [smem:$0x3FFC];
	_ =	sdelay $0x3  }
0x94: {  	_ =	strace s2  }
0x95: {  	s2 =	sld [smem:$0x3FFD];
	_ =	sdelay $0x3  }
0x96: {  	_ =	strace s2  }
0x97: {  	_ =	strace $0x8FFFFFFF  }
0x98: {  	s18 =	sld [smem:$0x3FDB];
	_ =	sdelay $0x1  }
0x99: {  	s19 =	simm.s32 $_scs_section_size  }
0x9a: {  	s4 =	simm.s32 $_size__tile_overlayer_lowered;
	s5 =	simm.s32 $_tile_overlayer_lowered  }
0x9b: {  	s22 =	simm.s32 $0x1BFF;
	s21 =	sshll.u32 s5, $0x1;
	s2 =	sadd.s32 s19, s18  }
0x9c: {  	s6 =	simm.s32 $0x0;
	s20 =	sshll.u32 s4, $0x1;
	s4 =	sadd.s32 s21, s2  }
0x9d: {  	[timem:s6], [sflag:s22] =	dma.local [hbm:s4], s20  }
0x9e: {  	_ =	swait.ge [sflag:s22], s20  }
0x9f: {  	s3 =	ssub.s32 $0x0, s20;
	[sflag:s22] =	ssyncset.done $0x0  }
0xa0: {  	[sflag:s22] =	ssyncadd.s32 s3;
	_ =	sdelay $0x1  }
0xa1: {  	s23 =	simm.s32 $0x1B8B  }
0xa2: {  	_ =	swait.ge [sflag:s23], $0x1  }
0xa3: {  	[sflag:s23] =	ssyncset.done $0x0  }
0xa4: {  	s25 =	simm.s32 $0x1B8E;
	s24 =	sld [smem:$0x3FFE];
	[sflag:s23] =	ssyncadd.s32 $0xFFFFFFFF  }
0xa5: {  	s26 =	simm.s32 $execute0_lowered;
	[smem:$0x3FD2] =	sst s25  }
0xa6: {  	s4 =	sshll.u32 s26, $0x1;
	_ =	strace $0x80000049;
	[dreg:$0x1] =	wrdreg $0xFFFFFFFF  }
0xa7: {  	s28 =	simm.s32 $_size_execute0_lowered;
	s2 =	sadd.s32 s2, s4;
	[dreg:$0x0] =	wrdreg $0x0  }
0xa8: {  	s4 =	sshll.u32 s28, $0x1;
	[dreg:$0x2] =	wrdreg s2  }
0xa9: {  	[dreg:$0x3] =	wrdreg s4  }
0xaa: {  	[dreg:$0x4] =	wrdreg $0xC0  }
0xab: {  	_ =	task [dreg:s6], $0x5FFFF  }
0xac: {  	[dreg:$0x1] =	wrdreg $0xFFFFFFFF  }
0xad: {  	[dreg:$0x0] =	wrdreg $0x60  }
0xae: {  	[dreg:$0x2] =	wrdreg s24  }
0xaf: {  	[dreg:$0x3] =	wrdreg $0xC0000  }
0xb0: {  	[dreg:$0x4] =	wrdreg $0x9  }
0xb1: {  	_ =	task.clear_ibuf [dreg:s6], $0x5FFFF;
	_ =	strace $0x90000049  }
0xb2: {  	s29 =	simm.s32 $0x9;
	_ =	strace $0x8000004B  }
0xb3: {  	_ =	swait.ge [sflag:s29], $0x1  }
0xb4: {  	[sflag:s29] =	ssyncadd.s32 $0xFFFFFFFF  }
0xb5: {  	_ =	strace $0x9000004B  }
0xb6: {  	_ =	sfence  }
0xb7: {  	s30 =	sld [smem:$0x0];
	_ =	sdelay $0x2  }
0xb8: {  	s31 =	sshll.u32 s1, $0xD;
	s1 =	sshrl.u32 s1, $0x2  }
0xb9: {  	s3 =	sand.u32 $0x4000, s31;
	s1 =	sadd.s32 s1, s30  }
0xba: {  	s0 =	sor.u32 s3, s0;
	s1 =	sshll.u32 s1, $0x11  }
0xbb: {  	s0 =	sor.u32 s1, s0  }
0xbc: {  	s0 =	sadd.s32 $0x8F2B, s0  }
0xbd: {  	[sflag:s0] =	ssyncadd.remote.s32 $0x1  }
0xbe: {  	_ =	sfence.sel $0xFFFF  }
0xbf: {  	[dreg:$0x0] =	wrdreg $0xFFFFFFFF;
	(pc) =	sbr.abs _section_cstart, $3  }
0xc0: {  	[dreg:$0x1] =	wrdreg $0xFFFFFFFF  }
0xc1: {  	_ =	task.clear_ibuf [dreg:s6], $0x2FFFF;
	_ =	strace $0x9FFFFFFF  }
0xc2: {  	(tm) =	ssettm $0x7FFFFFFF  }
0xc3: {  	_ =	shalt  }
tec
execute0_lowered:
.L_overlay_start_1:
0x0: {  	(tag) =	ssettag $0x1  }
0x1: {  	s0 =	rddreg [dreg:$0x0]  }
0x2: {  	s2 =	rddreg [dreg:$0x1];
	s3 =	simm.s32 $0x0;
	s4 =	srdreg.scid  }
0x3: {  	s1 =	stileid.u32;
	s21 =	simm.s32 $0x4000;
	s22 =	simm.s32 $0x2  }
0x4: {  	s23 =	simm.s32 $0x2000;
	s24 =	simm.s32 $0x80;
	s25 =	simm.s32 $0x1  }
0x5: {  	s26 =	simm.s32 $0x8000;
	s31 =	simm.s32 $0x0;
	[smem:$0x7FF] =	sst s3  }
0x6: {  	s11 =	sand.u32 $0x1, s4;
	s6 =	smul.u32 $0x278, s1;
	s4 =	sadd.s32 $0xBC00, s0  }
0x7: {  	s5 =	sadd.s32 $0x33C00, s0;
	s8 =	smul.u32 $0x4F000, s1;
	s13 =	sadd.s32 $0x1C00, s0  }
0x8: {  	s14 =	sadd.s32 $0x6C00, s0;
	s12 =	sshll.u32 s1, $0x8;
	s15 =	sshll.u32 s1, $0xA  }
0x9: {  	_ =	strace $0x8000004A;
	s7 =	smul.u32 $0x2800, s11;
	s30 =	ssub.s32 $0x2, s11  }
0xa: {  	p0 =	seq.s32 s11, $0x1;
	s16 =	sor.u32 $0x4000, s12;
	s11 =	sadd.s32 s13, s15  }
0xb: {  	s12 =	sadd.s32 s14, s15;
	s8 =	sshrl.u32 s8, $0x2;
	s9 =	sshrl.u32 s30, $0x1  }
0xc: {  	s13 =	sadd.s32 s13, s16;
	s14 =	sadd.s32 s14, s16;
	s6 =	sadd.s32 s6, s7  }
.Ltmp0:
0xd: {  	s20 =	ssub.s32 s30, s9;
	s6 =	sshll.u32 s6, $0x4;
	(pc) =	sbr.rel .LBB2_1-.Ltmp0, $4  }
0xe: {  	s20 =	smax.u32 s20, $0x1;
	s0 =	sadd.s32 s6, s0;
	s6 =	sadd.s32 s8, s2  }
0xf: {  	s7 =	sadd.s32 $0x4000, s6;
	s8 =	sadd.s32 $0x8000, s6;
	s9 =	sadd.s32 $0xC000, s6  }
0x10: {  	s10 =	sadd.s32 $0x10000, s6;
	s15 =	sadd.s32 $0x5BC00, s0;
	s16 =	sadd.s32 $0x5C400, s0  }
0x11: {  	v0 =	vimm.f32 $0.0e+00;
	s17 =	sadd.s32 $0x5CC00, s0;
	s18 =	sadd.s32 $0x5D400, s0;
	s19 =	sadd.s32 $0x5DC00, s0  }
.LBB2_9:
0x12: {  	[tilespmem:s3], [sflag:$0x2] =	stream.linear.gather [hbm4b:s13+s3], $0x800, $0x38;
	[tilespmem:$0x1FC00] =	vst v63  }
0x13: {  	_ =	swait.ge [sflag:s22], $0x800  }
0x14: {  	[sflag:s22] =	ssyncset.done $0x0  }
0x15: {  	[sflag:s22] =	ssyncadd.s32 $0xFFFFF800  }
0x16: {  	[tilespmem:s23], [sflag:$0x2] =	stream.linear.gather [hbm4b:s14+s3], $0x800, $0x38;
	[tilespmem:$0x1FC00] =	vst v63  }
0x17: {  	_ =	swait.ge [sflag:s22], $0x800  }
0x18: {  	[sflag:s22] =	ssyncset.done $0x0  }
0x19: {  	[sflag:s22] =	ssyncadd.s32 $0xFFFFF800  }
0x1a: {  	[tilespmem:s21], [sflag:$0x1] =	stream.indirect.gather [hbm4b:s5+s24], $0x80, s3, s24, $0xb8;
	[tilespmem:$0x1FC00] =	vst v63  }
0x1b: {  	_ =	swait.ge [sflag:s25], $0x4000  }
0x1c: {  	[sflag:s25] =	ssyncset.done $0x0  }
0x1d: {  	[sflag:s25] =	ssyncadd.s32 $0xFFFFC000  }
0x1e: {  	[tilespmem:s26], [sflag:$0x1] =	stream.indirect.gather [hbm4b:s5+s24], $0x80, s24, s24, $0xb8;
	[tilespmem:$0x1FC00] =	vst v63  }
0x1f: {  	_ = 	snop  }
0x20: {  	[spmem:s2] =	stream.indirect.scatter.add.f32 [tilespmem:s21], [sflag:$0x2], $0x80, s23, s24, $0xb8;
	[tilespmem:$0x1FC00] =	vst v63  }
0x21: {  	_ =	swait.ge [sflag:s22], $0x4000  }
0x22: {  	[sflag:s22] =	ssyncset.done $0x0  }
0x23: {  	[sflag:s22] =	ssyncadd.s32 $0xFFFFC000  }
0x24: {  	_ =	swait.ge [sflag:s25], $0x4000  }
0x25: {  	[sflag:s25] =	ssyncset.done $0x0  }
0x26: {  	s0 =	simm.s32 $0x100;
	[sflag:s25] =	ssyncadd.s32 $0xFFFFC000  }
0x27: {  	[tilespmem:s21], [sflag:$0x1] =	stream.indirect.gather [hbm4b:s5+s24], $0x80, s0, s24, $0xb8;
	[tilespmem:$0x1FC00] =	vst v63  }
0x28: {  	s29 =	simm.s32 $0x2080  }
0x29: {  	[spmem:s2] =	stream.indirect.scatter.add.f32 [tilespmem:s26], [sflag:$0x2], $0x80, s29, s24, $0xb8;
	[tilespmem:$0x1FC00] =	vst v63  }
0x2a: {  	_ =	swait.ge [sflag:s22], $0x4000  }
0x2b: {  	[sflag:s22] =	ssyncset.done $0x0  }
0x2c: {  	[sflag:s22] =	ssyncadd.s32 $0xFFFFC000  }
0x2d: {  	_ =	swait.ge [sflag:s25], $0x4000  }
0x2e: {  	[sflag:s25] =	ssyncset.done $0x0  }
0x2f: {  	s30 =	simm.s32 $0x180;
	[sflag:s25] =	ssyncadd.s32 $0xFFFFC000  }
0x30: {  	[tilespmem:s26], [sflag:$0x1] =	stream.indirect.gather [hbm4b:s5+s24], $0x80, s30, s24, $0xb8;
	[tilespmem:$0x1FC00] =	vst v63  }
0x31: {  	s29 =	simm.s32 $0x2100  }
0x32: {  	[spmem:s2] =	stream.indirect.scatter.add.f32 [tilespmem:s21], [sflag:$0x2], $0x80, s29, s24, $0xb8;
	[tilespmem:$0x1FC00] =	vst v63  }
0x33: {  	_ =	swait.ge [sflag:s22], $0x4000  }
0x34: {  	[sflag:s22] =	ssyncset.done $0x0  }
0x35: {  	[sflag:s22] =	ssyncadd.s32 $0xFFFFC000  }
0x36: {  	_ =	swait.ge [sflag:s25], $0x4000  }
0x37: {  	[sflag:s25] =	ssyncset.done $0x0  }
0x38: {  	s30 =	simm.s32 $0x200;
	[sflag:s25] =	ssyncadd.s32 $0xFFFFC000  }
0x39: {  	[tilespmem:s21], [sflag:$0x1] =	stream.indirect.gather [hbm4b:s5+s24], $0x80, s30, s24, $0xb8;
	[tilespmem:$0x1FC00] =	vst v63  }
0x3a: {  	s29 =	simm.s32 $0x2180  }
0x3b: {  	[spmem:s2] =	stream.indirect.scatter.add.f32 [tilespmem:s26], [sflag:$0x2], $0x80, s29, s24, $0xb8;
	[tilespmem:$0x1FC00] =	vst v63  }
0x3c: {  	_ =	swait.ge [sflag:s22], $0x4000  }
0x3d: {  	[sflag:s22] =	ssyncset.done $0x0  }
0x3e: {  	[sflag:s22] =	ssyncadd.s32 $0xFFFFC000  }
0x3f: {  	_ =	swait.ge [sflag:s25], $0x4000  }
0x40: {  	[sflag:s25] =	ssyncset.done $0x0  }
0x41: {  	s30 =	simm.s32 $0x280;
	[sflag:s25] =	ssyncadd.s32 $0xFFFFC000  }
0x42: {  	[tilespmem:s26], [sflag:$0x1] =	stream.indirect.gather [hbm4b:s5+s24], $0x80, s30, s24, $0xb8;
	[tilespmem:$0x1FC00] =	vst v63  }
0x43: {  	s29 =	simm.s32 $0x2200  }
0x44: {  	[spmem:s2] =	stream.indirect.scatter.add.f32 [tilespmem:s21], [sflag:$0x2], $0x80, s29, s24, $0xb8;
	[tilespmem:$0x1FC00] =	vst v63  }
0x45: {  	_ =	swait.ge [sflag:s22], $0x4000  }
0x46: {  	[sflag:s22] =	ssyncset.done $0x0  }
0x47: {  	[sflag:s22] =	ssyncadd.s32 $0xFFFFC000  }
0x48: {  	_ =	swait.ge [sflag:s25], $0x4000  }
0x49: {  	[sflag:s25] =	ssyncset.done $0x0  }
0x4a: {  	s30 =	simm.s32 $0x300;
	[sflag:s25] =	ssyncadd.s32 $0xFFFFC000  }
0x4b: {  	[tilespmem:s21], [sflag:$0x1] =	stream.indirect.gather [hbm4b:s5+s24], $0x80, s30, s24, $0xb8;
	[tilespmem:$0x1FC00] =	vst v63  }
0x4c: {  	s29 =	simm.s32 $0x2280  }
0x4d: {  	[spmem:s2] =	stream.indirect.scatter.add.f32 [tilespmem:s26], [sflag:$0x2], $0x80, s29, s24, $0xb8;
	[tilespmem:$0x1FC00] =	vst v63  }
0x4e: {  	_ =	swait.ge [sflag:s22], $0x4000  }
0x4f: {  	[sflag:s22] =	ssyncset.done $0x0  }
0x50: {  	[sflag:s22] =	ssyncadd.s32 $0xFFFFC000  }
0x51: {  	_ =	swait.ge [sflag:s25], $0x4000  }
0x52: {  	[sflag:s25] =	ssyncset.done $0x0  }
0x53: {  	s30 =	simm.s32 $0x380;
	[sflag:s25] =	ssyncadd.s32 $0xFFFFC000  }
0x54: {  	[tilespmem:s26], [sflag:$0x1] =	stream.indirect.gather [hbm4b:s5+s24], $0x80, s30, s24, $0xb8;
	[tilespmem:$0x1FC00] =	vst v63  }
0x55: {  	s29 =	simm.s32 $0x2300  }
0x56: {  	[spmem:s2] =	stream.indirect.scatter.add.f32 [tilespmem:s21], [sflag:$0x2], $0x80, s29, s24, $0xb8;
	[tilespmem:$0x1FC00] =	vst v63  }
0x57: {  	_ =	swait.ge [sflag:s22], $0x4000  }
0x58: {  	[sflag:s22] =	ssyncset.done $0x0  }
0x59: {  	[sflag:s22] =	ssyncadd.s32 $0xFFFFC000  }
0x5a: {  	_ =	swait.ge [sflag:s25], $0x4000  }
0x5b: {  	[sflag:s25] =	ssyncset.done $0x0  }
0x5c: {  	s30 =	simm.s32 $0x400;
	[sflag:s25] =	ssyncadd.s32 $0xFFFFC000  }
0x5d: {  	[tilespmem:s21], [sflag:$0x1] =	stream.indirect.gather [hbm4b:s5+s24], $0x80, s30, s24, $0xb8;
	[tilespmem:$0x1FC00] =	vst v63  }
0x5e: {  	s29 =	simm.s32 $0x2380  }
0x5f: {  	[spmem:s2] =	stream.indirect.scatter.add.f32 [tilespmem:s26], [sflag:$0x2], $0x80, s29, s24, $0xb8;
	[tilespmem:$0x1FC00] =	vst v63  }
0x60: {  	_ =	swait.ge [sflag:s22], $0x4000  }
0x61: {  	[sflag:s22] =	ssyncset.done $0x0  }
0x62: {  	[sflag:s22] =	ssyncadd.s32 $0xFFFFC000  }
0x63: {  	_ =	swait.ge [sflag:s25], $0x4000  }
0x64: {  	[sflag:s25] =	ssyncset.done $0x0  }
0x65: {  	s30 =	simm.s32 $0x480;
	[sflag:s25] =	ssyncadd.s32 $0xFFFFC000  }
0x66: {  	[tilespmem:s26], [sflag:$0x1] =	stream.indirect.gather [hbm4b:s5+s24], $0x80, s30, s24, $0xb8;
	[tilespmem:$0x1FC00] =	vst v63  }
0x67: {  	s29 =	simm.s32 $0x2400  }
0x68: {  	[spmem:s2] =	stream.indirect.scatter.add.f32 [tilespmem:s21], [sflag:$0x2], $0x80, s29, s24, $0xb8;
	[tilespmem:$0x1FC00] =	vst v63  }
0x69: {  	_ =	swait.ge [sflag:s22], $0x4000  }
0x6a: {  	[sflag:s22] =	ssyncset.done $0x0  }
0x6b: {  	[sflag:s22] =	ssyncadd.s32 $0xFFFFC000  }
0x6c: {  	_ =	swait.ge [sflag:s25], $0x4000  }
0x6d: {  	[sflag:s25] =	ssyncset.done $0x0  }
0x6e: {  	s30 =	simm.s32 $0x500;
	[sflag:s25] =	ssyncadd.s32 $0xFFFFC000  }
0x6f: {  	[tilespmem:s21], [sflag:$0x1] =	stream.indirect.gather [hbm4b:s5+s24], $0x80, s30, s24, $0xb8;
	[tilespmem:$0x1FC00] =	vst v63  }
0x70: {  	s29 =	simm.s32 $0x2480  }
0x71: {  	[spmem:s2] =	stream.indirect.scatter.add.f32 [tilespmem:s26], [sflag:$0x2], $0x80, s29, s24, $0xb8;
	[tilespmem:$0x1FC00] =	vst v63  }
0x72: {  	_ =	swait.ge [sflag:s22], $0x4000  }
0x73: {  	[sflag:s22] =	ssyncset.done $0x0  }
0x74: {  	[sflag:s22] =	ssyncadd.s32 $0xFFFFC000  }
0x75: {  	_ =	swait.ge [sflag:s25], $0x4000  }
0x76: {  	[sflag:s25] =	ssyncset.done $0x0  }
0x77: {  	s30 =	simm.s32 $0x580;
	[sflag:s25] =	ssyncadd.s32 $0xFFFFC000  }
0x78: {  	[tilespmem:s26], [sflag:$0x1] =	stream.indirect.gather [hbm4b:s5+s24], $0x80, s30, s24, $0xb8;
	[tilespmem:$0x1FC00] =	vst v63  }
0x79: {  	s29 =	simm.s32 $0x2500  }
0x7a: {  	[spmem:s2] =	stream.indirect.scatter.add.f32 [tilespmem:s21], [sflag:$0x2], $0x80, s29, s24, $0xb8;
	[tilespmem:$0x1FC00] =	vst v63  }
0x7b: {  	_ =	swait.ge [sflag:s22], $0x4000  }
0x7c: {  	[sflag:s22] =	ssyncset.done $0x0  }
0x7d: {  	[sflag:s22] =	ssyncadd.s32 $0xFFFFC000  }
0x7e: {  	_ =	swait.ge [sflag:s25], $0x4000  }
0x7f: {  	[sflag:s25] =	ssyncset.done $0x0  }
0x80: {  	s30 =	simm.s32 $0x600;
	[sflag:s25] =	ssyncadd.s32 $0xFFFFC000  }
0x81: {  	[tilespmem:s21], [sflag:$0x1] =	stream.indirect.gather [hbm4b:s5+s24], $0x80, s30, s24, $0xb8;
	[tilespmem:$0x1FC00] =	vst v63  }
0x82: {  	s29 =	simm.s32 $0x2580  }
0x83: {  	[spmem:s2] =	stream.indirect.scatter.add.f32 [tilespmem:s26], [sflag:$0x2], $0x80, s29, s24, $0xb8;
	[tilespmem:$0x1FC00] =	vst v63  }
0x84: {  	_ =	swait.ge [sflag:s22], $0x4000  }
0x85: {  	[sflag:s22] =	ssyncset.done $0x0  }
0x86: {  	[sflag:s22] =	ssyncadd.s32 $0xFFFFC000  }
0x87: {  	_ =	swait.ge [sflag:s25], $0x4000  }
0x88: {  	[sflag:s25] =	ssyncset.done $0x0  }
0x89: {  	s30 =	simm.s32 $0x680;
	[sflag:s25] =	ssyncadd.s32 $0xFFFFC000  }
0x8a: {  	[tilespmem:s26], [sflag:$0x1] =	stream.indirect.gather [hbm4b:s5+s24], $0x80, s30, s24, $0xb8;
	[tilespmem:$0x1FC00] =	vst v63  }
0x8b: {  	s29 =	simm.s32 $0x2600  }
0x8c: {  	[spmem:s2] =	stream.indirect.scatter.add.f32 [tilespmem:s21], [sflag:$0x2], $0x80, s29, s24, $0xb8;
	[tilespmem:$0x1FC00] =	vst v63  }
0x8d: {  	_ =	swait.ge [sflag:s22], $0x4000  }
0x8e: {  	[sflag:s22] =	ssyncset.done $0x0  }
0x8f: {  	[sflag:s22] =	ssyncadd.s32 $0xFFFFC000  }
0x90: {  	_ =	swait.ge [sflag:s25], $0x4000  }
0x91: {  	[sflag:s25] =	ssyncset.done $0x0  }
0x92: {  	s30 =	simm.s32 $0x700;
	[sflag:s25] =	ssyncadd.s32 $0xFFFFC000  }
0x93: {  	[tilespmem:s21], [sflag:$0x1] =	stream.indirect.gather [hbm4b:s5+s24], $0x80, s30, s24, $0xb8;
	[tilespmem:$0x1FC00] =	vst v63  }
0x94: {  	s29 =	simm.s32 $0x2680  }
0x95: {  	[spmem:s2] =	stream.indirect.scatter.add.f32 [tilespmem:s26], [sflag:$0x2], $0x80, s29, s24, $0xb8;
	[tilespmem:$0x1FC00] =	vst v63  }
0x96: {  	_ =	swait.ge [sflag:s22], $0x4000  }
0x97: {  	[sflag:s22] =	ssyncset.done $0x0  }
0x98: {  	[sflag:s22] =	ssyncadd.s32 $0xFFFFC000  }
0x99: {  	_ =	swait.ge [sflag:s25], $0x4000  }
0x9a: {  	s28 =	simm.s32 $0x2700;
	[sflag:s25] =	ssyncset.done $0x0  }
0x9b: {  	s0 =	simm.s32 $0x2780;
	s30 =	simm.s32 $0x780;
	[sflag:s25] =	ssyncadd.s32 $0xFFFFC000  }
0x9c: {  	[tilespmem:s26], [sflag:$0x1] =	stream.indirect.gather [hbm4b:s5+s24], $0x80, s30, s24, $0xb8;
	[tilespmem:$0x1FC00] =	vst v63  }
.LBB2_7:
0x9d: {  	[spmem:s2] =	stream.indirect.scatter.add.f32 [tilespmem:s21], [sflag:$0x2], $0x80, s28, s24, $0xb8;
	[tilespmem:$0x1FC00] =	vst v63  }
0x9e: {  	_ =	swait.ge [sflag:s22], $0x4000  }
0x9f: {  	[sflag:s22] =	ssyncset.done $0x0  }
0xa0: {  	[sflag:s22] =	ssyncadd.s32 $0xFFFFC000  }
0xa1: {  	_ =	swait.ge [sflag:s25], $0x4000  }
0xa2: {  	[sflag:s25] =	ssyncset.done $0x0  }
0xa3: {  	[sflag:s25] =	ssyncadd.s32 $0xFFFFC000  }
0xa4: {  	[spmem:s2] =	stream.indirect.scatter.add.f32 [tilespmem:s26], [sflag:$0x2], $0x80, s0, s24, $0xb8;
	[tilespmem:$0x1FC00] =	vst v63  }
0xa5: {  	_ =	swait.ge [sflag:s22], $0x4000  }
0xa6: {  	[sflag:s22] =	ssyncset.done $0x0  }
0xa7: {  	s29 =	sshll.u32 s1, $0x6;
	[sflag:s22] =	ssyncadd.s32 $0xFFFFC000  }
0xa8: {  	s30 =	sshrl.u32 s6, $0x3;
	s0 =	sor.u32 $0x1C02, s29;
	[bflag:$0x0] =	sbarrier.arrive $0xFFFF  }
0xa9: {  	[hbm:s15], [sflag:s0] =	dma.local [spmem:s30], $0x800  }
0xaa: {  	_ =	swait.ge [sflag:s22], $0x800  }
0xab: {  	[sflag:s22] =	ssyncset.done $0x0  }
0xac: {  	s29 =	sshrl.u32 s7, $0x3;
	[sflag:s22] =	ssyncadd.s32 $0xFFFFF800  }
0xad: {  	[hbm:s16], [sflag:s0] =	dma.local [spmem:s29], $0x800  }
0xae: {  	_ =	swait.ge [sflag:s22], $0x800  }
0xaf: {  	[sflag:s22] =	ssyncset.done $0x0  }
0xb0: {  	s30 =	sshrl.u32 s8, $0x3;
	[sflag:s22] =	ssyncadd.s32 $0xFFFFF800  }
0xb1: {  	[hbm:s17], [sflag:s0] =	dma.local [spmem:s30], $0x800  }
0xb2: {  	_ =	swait.ge [sflag:s22], $0x800  }
0xb3: {  	[sflag:s22] =	ssyncset.done $0x0  }
0xb4: {  	s29 =	sshrl.u32 s9, $0x3;
	[sflag:s22] =	ssyncadd.s32 $0xFFFFF800  }
0xb5: {  	[hbm:s18], [sflag:s0] =	dma.local [spmem:s29], $0x800  }
0xb6: {  	s31 =	sadd.s32 $0x1, s31;
	_ =	swait.ge [sflag:s22], $0x800  }
0xb7: {  	p1 =	sne.s32 s31, s20;
	[sflag:s22] =	ssyncset.done $0x0  }
.Ltmp1:
0xb8: {  	s30 =	sshrl.u32 s10, $0x3;
	[sflag:s22] =	ssyncadd.s32 $0xFFFFF800;
	(pc) =	sbr.rel @!p1 .LBB2_8-.Ltmp1, $4  }
0xb9: {  	[hbm:s19], [sflag:s0] =	dma.local [spmem:s30], $0x780  }
0xba: {  	_ =	swait.ge [sflag:s22], $0x780  }
0xbb: {  	[sflag:s22] =	ssyncset.done $0x0  }
0xbc: {  	[sflag:s22] =	ssyncadd.s32 $0xFFFFF880  }
.LBB2_1:
0xbd: {  	s0 =	sand.u32 $0xFE00, s3  }
0xbe: {  	s28 =	sand.u32 $0x70, s3;
	s29 =	sshrl.u32 s0, $0x2  }
0xbf: {  	s0 =	simm.s32 $0x40;
	s29 =	sor.u32 s28, s29;
	s28 =	simm.s32 $0x0  }
.LBB2_2:
0xc0: {  	p1 =	sne.s32 s0, $0xFFC0  }
0xc1: {  	[tilespmem:s29+$0x4000] =	vst v0;
	s28 =	sadd.s32 $0x10, s28;
	s29 =	smov.u32 s0;
	s0 =	sadd.s32 $0x40, s0  }
.Ltmp2:
0xc2: {  	(pc) =	sbr.rel @p1 .LBB2_2-.Ltmp2, $4  }
0xc3: {  	_ = 	snop  }
0xc4: {  	s29 =	sand.u32 $0xFE00, s29  }
0xc5: {  	s30 =	sand.u32 $0x70, s28;
	s29 =	sshrl.u32 s29, $0x2  }
0xc6: {  	s29 =	sor.u32 s30, s29  }
0xc7: {  	[tilespmem:s29+$0x4000] =	vst v0  }
0xc8: {  	[spmem:s6] =	stream.linear.scatter [tilespmem:s21], [sflag:$0x2], $0x4000, $0x38;
	[tilespmem:$0x1FC00] =	vst v63  }
0xc9: {  	_ =	swait.ge [sflag:s22], $0x4000  }
0xca: {  	[sflag:s22] =	ssyncset.done $0x0  }
0xcb: {  	[sflag:s22] =	ssyncadd.s32 $0xFFFFC000  }
0xcc: {  	[spmem:s7] =	stream.linear.scatter [tilespmem:s21], [sflag:$0x2], $0x4000, $0x38;
	[tilespmem:$0x1FC00] =	vst v63  }
0xcd: {  	_ =	swait.ge [sflag:s22], $0x4000  }
0xce: {  	[sflag:s22] =	ssyncset.done $0x0  }
0xcf: {  	[sflag:s22] =	ssyncadd.s32 $0xFFFFC000  }
0xd0: {  	[spmem:s8] =	stream.linear.scatter [tilespmem:s21], [sflag:$0x2], $0x4000, $0x38;
	[tilespmem:$0x1FC00] =	vst v63  }
0xd1: {  	_ =	swait.ge [sflag:s22], $0x4000  }
0xd2: {  	[sflag:s22] =	ssyncset.done $0x0  }
0xd3: {  	[sflag:s22] =	ssyncadd.s32 $0xFFFFC000  }
0xd4: {  	[spmem:s9] =	stream.linear.scatter [tilespmem:s21], [sflag:$0x2], $0x4000, $0x38;
	[tilespmem:$0x1FC00] =	vst v63  }
0xd5: {  	_ =	swait.ge [sflag:s22], $0x4000  }
0xd6: {  	[sflag:s22] =	ssyncset.done $0x0  }
.Ltmp3:
0xd7: {  	[sflag:s22] =	ssyncadd.s32 $0xFFFFC000;
	(pc) =	sbr.rel @p0 .LBB2_9-.Ltmp3, $4  }
0xd8: {  	[spmem:s10] =	stream.linear.scatter [tilespmem:s21], [sflag:$0x2], $0x3C00, $0x38;
	[tilespmem:$0x1FC00] =	vst v63  }
0xd9: {  	_ =	swait.ge [sflag:s22], $0x3C00  }
0xda: {  	[sflag:s22] =	ssyncset.done $0x0  }
0xdb: {  	[sflag:s22] =	ssyncadd.s32 $0xFFFFC400  }
0xdc: {  	s0 =	simm.s32 $0x0  }
0xdd: {  	[tilespmem:s0], [sflag:$0x2] =	stream.linear.gather [hbm4b:s11+s0], $0x2000, $0x38;
	[tilespmem:$0x1FC00] =	vst v63  }
0xde: {  	_ =	swait.ge [sflag:s22], $0x2000  }
0xdf: {  	[sflag:s22] =	ssyncset.done $0x0  }
0xe0: {  	[sflag:s22] =	ssyncadd.s32 $0xFFFFE000  }
0xe1: {  	[tilespmem:s23], [sflag:$0x2] =	stream.linear.gather [hbm4b:s12+s0], $0x2000, $0x38;
	[tilespmem:$0x1FC00] =	vst v63  }
0xe2: {  	_ =	swait.ge [sflag:s22], $0x2000  }
0xe3: {  	[sflag:s22] =	ssyncset.done $0x0  }
0xe4: {  	[sflag:s22] =	ssyncadd.s32 $0xFFFFE000  }
0xe5: {  	[tilespmem:s21], [sflag:$0x1] =	stream.indirect.gather [hbm4b:s4+s24], $0x80, s0, s24, $0xb8;
	[tilespmem:$0x1FC00] =	vst v63  }
0xe6: {  	_ =	swait.ge [sflag:s25], $0x4000  }
0xe7: {  	[sflag:s25] =	ssyncset.done $0x0  }
0xe8: {  	s30 =	simm.s32 $0x80;
	[sflag:s25] =	ssyncadd.s32 $0xFFFFC000  }
0xe9: {  	[tilespmem:s26], [sflag:$0x1] =	stream.indirect.gather [hbm4b:s4+s24], $0x80, s30, s24, $0xb8;
	[tilespmem:$0x1FC00] =	vst v63  }
0xea: {  	s28 =	simm.s32 $0x2000  }
0xeb: {  	[spmem:s2] =	stream.indirect.scatter.add.f32 [tilespmem:s21], [sflag:$0x2], $0x80, s28, s24, $0xb8;
	[tilespmem:$0x1FC00] =	vst v63  }
0xec: {  	_ =	swait.ge [sflag:s22], $0x4000  }
0xed: {  	[sflag:s22] =	ssyncset.done $0x0  }
0xee: {  	[sflag:s22] =	ssyncadd.s32 $0xFFFFC000  }
0xef: {  	_ =	swait.ge [sflag:s25], $0x4000  }
0xf0: {  	[sflag:s25] =	ssyncset.done $0x0  }
0xf1: {  	s29 =	simm.s32 $0x100;
	[sflag:s25] =	ssyncadd.s32 $0xFFFFC000  }
0xf2: {  	[tilespmem:s21], [sflag:$0x1] =	stream.indirect.gather [hbm4b:s4+s24], $0x80, s29, s24, $0xb8;
	[tilespmem:$0x1FC00] =	vst v63  }
0xf3: {  	s30 =	simm.s32 $0x2080  }
0xf4: {  	[spmem:s2] =	stream.indirect.scatter.add.f32 [tilespmem:s26], [sflag:$0x2], $0x80, s30, s24, $0xb8;
	[tilespmem:$0x1FC00] =	vst v63  }
0xf5: {  	_ =	swait.ge [sflag:s22], $0x4000  }
0xf6: {  	s0 =	simm.s32 $0x400;
	[sflag:s22] =	ssyncset.done $0x0  }
.LBB2_5:
0xf7: {  	p1 =	seq.s32 s0, $0x7800  }
0xf8: {  	[sflag:s22] =	ssyncadd.s32 $0xFFFFC000;
	s28 =	smov.u32 s0;
	s0 =	sadd.s32 $0x400, s0  }
0xf9: {  	_ = 	snop  }
0xfa: {  	_ =	swait.ge [sflag:s25], $0x4000  }
0xfb: {  	s28 =	sshra.s32 s28, $0x2;
	[sflag:s25] =	ssyncset.done $0x0  }
0xfc: {  	s29 =	sadd.s32 $0x80, s28;
	[sflag:s25] =	ssyncadd.s32 $0xFFFFC000  }
0xfd: {  	[tilespmem:s26], [sflag:$0x1] =	stream.indirect.gather [hbm4b:s4+s24], $0x80, s29, s24, $0xb8;
	[tilespmem:$0x1FC00] =	vst v63  }
0xfe: {  	s29 =	sadd.s32 $0x2000, s28  }
0xff: {  	[spmem:s2] =	stream.indirect.scatter.add.f32 [tilespmem:s21], [sflag:$0x2], $0x80, s29, s24, $0xb8;
	[tilespmem:$0x1FC00] =	vst v63  }
0x100: {  	_ =	swait.ge [sflag:s22], $0x4000  }
0x101: {  	[sflag:s22] =	ssyncset.done $0x0  }
0x102: {  	[sflag:s22] =	ssyncadd.s32 $0xFFFFC000  }
0x103: {  	_ =	swait.ge [sflag:s25], $0x4000  }
0x104: {  	[sflag:s25] =	ssyncset.done $0x0  }
0x105: {  	s29 =	sadd.s32 $0x100, s28;
	[sflag:s25] =	ssyncadd.s32 $0xFFFFC000  }
0x106: {  	[tilespmem:s21], [sflag:$0x1] =	stream.indirect.gather [hbm4b:s4+s24], $0x80, s29, s24, $0xb8;
	[tilespmem:$0x1FC00] =	vst v63  }
.Ltmp4:
0x107: {  	_ = 	snop;
	(pc) =	sbr.rel @!p1 .LBB2_5-.Ltmp4, $4  }
0x108: {  	s28 =	sadd.s32 $0x2080, s28  }
0x109: {  	[spmem:s2] =	stream.indirect.scatter.add.f32 [tilespmem:s26], [sflag:$0x2], $0x80, s28, s24, $0xb8;
	[tilespmem:$0x1FC00] =	vst v63  }
0x10a: {  	_ =	swait.ge [sflag:s22], $0x4000  }
0x10b: {  	[sflag:s22] =	ssyncset.done $0x0  }
0x10c: {  	[sflag:s22] =	ssyncadd.s32 $0xFFFFC000  }
.Ltmp5:
0x10d: {  	_ =	swait.ge [sflag:s25], $0x4000;
	(pc) =	sbr.rel .LBB2_7-.Ltmp5, $4  }
0x10e: {  	[sflag:s25] =	ssyncset.done $0x0  }
0x10f: {  	s0 =	simm.s32 $0x1F80;
	[sflag:s25] =	ssyncadd.s32 $0xFFFFC000  }
0x110: {  	[tilespmem:s26], [sflag:$0x1] =	stream.indirect.gather [hbm4b:s4+s24], $0x80, s0, s24, $0xb8;
	[tilespmem:$0x1FC00] =	vst v63  }
0x111: {  	s28 =	simm.s32 $0x3F00;
	s0 =	simm.s32 $0x3F80  }
.LBB2_8:
0x112: {  	_ =	sfence.sel $0x180000  }
0x113: {  	[bflag:$0x0] =	sbarrier.arrive $0xFFFF  }
0x114: {  	_ =	strace $0x9000004A  }
0x115: {  	[bflag:$0x2] =	sbarrier.arrive $0xFFFF  }
0x116: {  	p0 =	sne.s32 s1, $0x0;
	s0 =	rddreg [dreg:$0x2]  }
0x117: {  	s0 =	sadd.s32 @!p0 $0x100000, s0  }
0x118: {  	[sflag:s0] =	ssyncadd.tile.s32 @!p0 $0x1;
	_ =	shalt  }
.Lfunc_end2:
_tile_overlayer_lowered:
.L_overlay_start_2:
0x119: {  	(tag) =	ssettag $0x2  }
0x11a: {  	s0 =	rddreg [dreg:$0x0];
	s2 =	stileid.u32  }
0x11b: {  	s1 =	rddreg [dreg:$0x1];
	p0 =	sne.s32 s2, $0x0  }
0x11c: {  	s3 =	rddreg [dreg:$0x2];
	[bflag:$0x3] =	sbarrier.arrive $0xFFFF;
	s2 =	simm.s32 @!p0 $0x1C02  }
0x11d: {  	[timem:s3], [sflag:s2] =	dma.local @!p0 [hbm:s0], s1  }
0x11e: {  	s0 =	simm.s32 @!p0 $0x2  }
0x11f: {  	_ =	swait.ge @!p0 [sflag:s0], s1  }
0x120: {  	s1 =	ssub.s32 @!p0 $0x0, s1;
	[sflag:s0] =	ssyncset.done @!p0 $0x0  }
0x121: {  	[sflag:s0] =	ssyncadd.s32 @!p0 s1  }
0x122: {  	[bflag:$0x3] =	sbarrier.arrive $0xFFFF  }
0x123: {  	_ =	shalt  }

// kernel: kernel.7.cloned.1.call-start
scs
__scs_entry_jumppad:
0x0: {  	(pc) =	sbr.rel $0x88, $3  }
0x1: {  	(tag) =	ssettag $0x0;
	lr =	simm.s32 $0x1  }
0x2: {  	[smem:$0x3F96] =	sst lr;
	_ =	strace $0xD0000000  }
0x3: {  	_ = 	snop  }
0x4: {  	_ = 	snop  }
0x5: {  	_ = 	snop  }
0x6: {  	_ = 	snop  }
0x7: {  	_ = 	snop  }
__scs_overlays_trampoline_lowered:
0x8: {  	[smem:$0x3FA5] =	sst s0  }
0x9: {  	[smem:$0x3FA6] =	sst s1  }
0xa: {  	[smem:$0x3FA7] =	sst s2  }
0xb: {  	[smem:$0x3FA8] =	sst s3  }
0xc: {  	[smem:$0x3FA9] =	sst s4  }
0xd: {  	[smem:$0x3FAA] =	sst s5  }
0xe: {  	[smem:$0x3FAB] =	sst s6  }
0xf: {  	[smem:$0x3FAC] =	sst s7  }
0x10: {  	[smem:$0x3FAD] =	sst s8  }
0x11: {  	[smem:$0x3FAE] =	sst s9;
	s0 =	simm.s32 @!p0 $0x0  }
0x12: {  	s1 =	sld [smem:$0x3F94];
	s0 =	simm.s32 @p0 $0x1  }
0x13: {  	[smem:$0x3FAF] =	sst s0;
	s0 =	simm.s32 @!p1 $0x0  }
0x14: {  	s2 =	sld [smem:$0x3F93];
	s0 =	simm.s32 @p1 $0x1  }
0x15: {  	[smem:$0x3FB0] =	sst s0;
	s0 =	simm.s32 @!p2 $0x0  }
0x16: {  	s3 =	sld [smem:$0x3FDB];
	s0 =	simm.s32 @p2 $0x1  }
0x17: {  	s4 =	simm.s32 $0x1BF5;
	[smem:$0x3FB2] =	sst s0  }
0x18: {  	s0 =	sld [smem:$0x3F95];
	_ =	swait.ge [sflag:s4], $0x0  }
0x19: {  	s7 =	sld [smem:$0x3F96]  }
0x1a: {  	s8 =	sadd.s32 $0xFFFFE003, lr  }
0x1b: {  	s9 =	sadd.s32 $0xFFFFFEF7, lr;
	s5 =	simm.s32 $0xFFFFFFFF;
	p2 =	slt.u32 s8, $0xFFFFF086  }
0x1c: {  	p1 =	slt.u32 s9, $0xF7A;
	s5 =	simm.s32 @!p2 $0x0  }
0x1d: {  	s5 =	simm.s32 @p1 $0x1;
	p0 =	seq.s32 s7, s2  }
0x1e: {  	s7 =	smul.u32 @!p0 $0xF7A, s2;
	p2 =	seq.s32 @!p0 s5, $0x0  }
0x1f: {  	s9 =	smul.u32 $0xF7A, s1;
	s8 =	simm.s32 @!p0 $0x1BF5;
	p2 =	por !p2, p0  }
0x20: {  	[sflag:s8] =	ssyncset.s32 @!p0 $0xFFFFF086;
	s6 =	sadd.s32 @!p0 s3, s7;
	s7 =	simm.s32 @!p0 $0x108  }
0x21: {  	s3 =	sadd.s32 s3, s9;
	s6 =	sadd.s32 @!p0 $0x88, s6;
	s7 =	simm.s32 @p2 $0x1082  }
0x22: {  	[simem:s7], [sflag:s8] =	dma.local @!p0 [hbm:s6], $0xF7A  }
0x23: {  	s9 =	sor.u32 $0xD0000000, s2;
	s6 =	simm.s32 $0x108;
	_ =	swait.ge @!p0 [sflag:s8], $0x0  }
0x24: {  	s3 =	sadd.s32 $0x88, s3;
	s6 =	simm.s32 @!p1 $0x1082;
	[sflag:s4] =	ssyncset.s32 $0xFFFFF086  }
0x25: {  	[simem:s6], [sflag:s4] =	dma.local [hbm:s3], $0xF7A  }
0x26: {  	[smem:$0x3F96] =	sst s1;
	(tag) =	ssettag s2;
	_ =	strace s9  }
0x27: {  	s1 =	sld [smem:$0x3FA6]  }
0x28: {  	s2 =	sld [smem:$0x3FA7]  }
0x29: {  	s4 =	sld [smem:$0x3FA9]  }
0x2a: {  	p0 =	seq.s32 s5, $0x0;
	s5 =	sld [smem:$0x3FAA]  }
0x2b: {  	s6 =	sld [smem:$0x3FAB]  }
0x2c: {  	s7 =	sld [smem:$0x3FAC]  }
0x2d: {  	s3 =	simm.s32 $0x108;
	s8 =	sld [smem:$0x3FAD]  }
0x2e: {  	s3 =	simm.s32 @!p0 $0x1082;
	s9 =	sld [smem:$0x3FAE]  }
0x2f: {  	lr =	sadd.s32 s0, s3;
	s0 =	sld [smem:$0x3FA5]  }
0x30: {  	s3 =	sld [smem:$0x3FA8]  }
0x31: {  	[smem:$0x3FB1] =	sst s10  }
0x32: {  	s10 =	sld [smem:$0x3FAF];
	_ =	sdelay $0x3  }
0x33: {  	p0 =	seq.s32 s10, $0x1;
	s10 =	sld [smem:$0x3FB1];
	_ =	sdelay $0x3  }
0x34: {  	[smem:$0x3FB1] =	sst s10  }
0x35: {  	s10 =	sld [smem:$0x3FB0];
	_ =	sdelay $0x3  }
0x36: {  	p1 =	seq.s32 s10, $0x1;
	s10 =	sld [smem:$0x3FB1];
	_ =	sdelay $0x3  }
0x37: {  	[smem:$0x3FB1] =	sst s10  }
0x38: {  	s10 =	sld [smem:$0x3FB2]  }
0x39: {  	_ = 	snop;
	(pc) =	sbr.ind lr, $3  }
0x3a: {  	_ = 	snop  }
0x3b: {  	_ = 	snop  }
0x3c: {  	p2 =	seq.s32 s10, $0x1;
	s10 =	sld [smem:$0x3FB1]  }
0x3d: {  	_ =	shalt  }
0x3e: {  	_ =	shalt  }
0x3f: {  	_ =	shalt  }
0x40: {  	_ =	shalt  }
0x41: {  	_ =	shalt  }
0x42: {  	_ =	shalt  }
0x43: {  	_ =	shalt  }
0x44: {  	_ =	shalt  }
0x45: {  	_ =	shalt  }
0x46: {  	_ =	shalt  }
0x47: {  	_ =	shalt  }
0x48: {  	_ =	shalt  }
0x49: {  	_ =	shalt  }
0x4a: {  	_ =	shalt  }
0x4b: {  	_ =	shalt  }
0x4c: {  	_ =	shalt  }
0x4d: {  	_ =	shalt  }
0x4e: {  	_ =	shalt  }
0x4f: {  	_ =	shalt  }
0x50: {  	_ =	shalt  }
0x51: {  	_ =	shalt  }
0x52: {  	_ =	shalt  }
0x53: {  	_ =	shalt  }
0x54: {  	_ =	shalt  }
0x55: {  	_ =	shalt  }
0x56: {  	_ =	shalt  }
0x57: {  	_ =	shalt  }
0x58: {  	_ =	shalt  }
0x59: {  	_ =	shalt  }
0x5a: {  	_ =	shalt  }
0x5b: {  	_ =	shalt  }
0x5c: {  	_ =	shalt  }
0x5d: {  	_ =	shalt  }
0x5e: {  	_ =	shalt  }
0x5f: {  	_ =	shalt  }
0x60: {  	_ =	shalt  }
0x61: {  	_ =	shalt  }
0x62: {  	_ =	shalt  }
0x63: {  	_ =	shalt  }
0x64: {  	_ =	shalt  }
0x65: {  	_ =	shalt  }
0x66: {  	_ =	shalt  }
0x67: {  	_ =	shalt  }
0x68: {  	_ =	shalt  }
0x69: {  	_ =	shalt  }
0x6a: {  	_ =	shalt  }
0x6b: {  	_ =	shalt  }
0x6c: {  	_ =	shalt  }
0x6d: {  	_ =	shalt  }
0x6e: {  	_ =	shalt  }
0x6f: {  	_ =	shalt  }
0x70: {  	_ =	shalt  }
0x71: {  	_ =	shalt  }
0x72: {  	_ =	shalt  }
0x73: {  	_ =	shalt  }
0x74: {  	_ =	shalt  }
0x75: {  	_ =	shalt  }
0x76: {  	_ =	shalt  }
0x77: {  	_ =	shalt  }
0x78: {  	_ =	shalt  }
0x79: {  	_ =	shalt  }
0x7a: {  	_ =	shalt  }
0x7b: {  	_ =	shalt  }
0x7c: {  	_ =	shalt  }
0x7d: {  	_ =	shalt  }
0x7e: {  	_ =	shalt  }
0x7f: {  	_ =	shalt  }
0x80: {  	_ =	shalt  }
0x81: {  	_ =	shalt  }
0x82: {  	_ =	shalt  }
0x83: {  	_ =	shalt  }
0x84: {  	_ =	shalt  }
0x85: {  	_ =	shalt  }
0x86: {  	_ =	shalt  }
0x87: {  	_ =	shalt  }
.Lfunc_end0:
.L_simem_size_0:
called_computation_lowered:
.L_overlay_start_0:
0x88: {  	s2 =	sld [smem:$0x3FD9]  }
0x89: {  	s3 =	sld [smem:$0x3FFE];
	_ =	sdelay $0x1  }
0x8a: {  	s1 =	srdreg.scid  }
0x8b: {  	s0 =	sand.u32 $0x1, s1  }
0x8c: {  	s16 =	sshll.u32 s0, $0xA;
	s2 =	sadd.s32 s3, s2  }
0x8d: {  	s2 =	sadd.s32 s2, s16  }
0x8e: {  	[smem:$0x3FBD] =	sst s2  }
0x8f: {  	_ = 	snop  }
0x90: {  	(tm) =	ssettm $0x1  }
0x91: {  	s17 =	sld [smem:$0x3FFB];
	_ =	sdelay $0x3  }
0x92: {  	_ =	strace s17  }
0x93: {  	s2 =	sld [smem:$0x3FFC];
	_ =	sdelay $0x3  }
0x94: {  	_ =	strace s2  }
0x95: {  	s2 =	sld [smem:$0x3FFD];
	_ =	sdelay $0x3  }
0x96: {  	_ =	strace s2  }
0x97: {  	_ =	strace $0x8FFFFFFF  }
0x98: {  	s18 =	sld [smem:$0x3FDB];
	_ =	sdelay $0x1  }
0x99: {  	s19 =	simm.s32 $_scs_section_size  }
0x9a: {  	s4 =	simm.s32 $_size__tile_overlayer_lowered;
	s5 =	simm.s32 $_tile_overlayer_lowered  }
0x9b: {  	s22 =	simm.s32 $0x1BFF;
	s21 =	sshll.u32 s5, $0x1;
	s2 =	sadd.s32 s19, s18  }
0x9c: {  	s6 =	simm.s32 $0x0;
	s20 =	sshll.u32 s4, $0x1;
	s4 =	sadd.s32 s21, s2  }
0x9d: {  	[timem:s6], [sflag:s22] =	dma.local [hbm:s4], s20  }
0x9e: {  	_ =	swait.ge [sflag:s22], s20  }
0x9f: {  	s3 =	ssub.s32 $0x0, s20;
	[sflag:s22] =	ssyncset.done $0x0  }
0xa0: {  	[sflag:s22] =	ssyncadd.s32 s3;
	_ =	sdelay $0x1  }
0xa1: {  	s23 =	simm.s32 $0x1B8B  }
0xa2: {  	_ =	swait.ge [sflag:s23], $0x1  }
0xa3: {  	[sflag:s23] =	ssyncset.done $0x0  }
0xa4: {  	s25 =	simm.s32 $0x1B8E;
	s24 =	sld [smem:$0x3FFE];
	[sflag:s23] =	ssyncadd.s32 $0xFFFFFFFF  }
0xa5: {  	s26 =	simm.s32 $execute0_lowered;
	[smem:$0x3FD2] =	sst s25  }
0xa6: {  	s4 =	sshll.u32 s26, $0x1;
	_ =	strace $0x80000046;
	[dreg:$0x1] =	wrdreg $0xFFFFFFFF  }
0xa7: {  	s28 =	simm.s32 $_size_execute0_lowered;
	s2 =	sadd.s32 s2, s4;
	[dreg:$0x0] =	wrdreg $0x0  }
0xa8: {  	s4 =	sshll.u32 s28, $0x1;
	[dreg:$0x2] =	wrdreg s2  }
0xa9: {  	[dreg:$0x3] =	wrdreg s4  }
0xaa: {  	[dreg:$0x4] =	wrdreg $0xC0  }
0xab: {  	_ =	task [dreg:s6], $0x5FFFF  }
0xac: {  	[dreg:$0x1] =	wrdreg $0xFFFFFFFF  }
0xad: {  	[dreg:$0x0] =	wrdreg $0x60  }
0xae: {  	[dreg:$0x2] =	wrdreg s24  }
0xaf: {  	[dreg:$0x3] =	wrdreg $0x9  }
0xb0: {  	_ =	task.clear_ibuf [dreg:s6], $0x4FFFF;
	_ =	strace $0x90000046  }
0xb1: {  	s29 =	simm.s32 $0x9;
	_ =	strace $0x80000048  }
0xb2: {  	_ =	swait.ge [sflag:s29], $0x1  }
0xb3: {  	[sflag:s29] =	ssyncadd.s32 $0xFFFFFFFF  }
0xb4: {  	_ =	strace $0x90000048  }
0xb5: {  	_ =	sfence  }
0xb6: {  	s30 =	sld [smem:$0x0];
	_ =	sdelay $0x2  }
0xb7: {  	s31 =	sshll.u32 s1, $0xD;
	s1 =	sshrl.u32 s1, $0x2  }
0xb8: {  	s3 =	sand.u32 $0x4000, s31;
	s1 =	sadd.s32 s1, s30  }
0xb9: {  	s0 =	sor.u32 s3, s0;
	s1 =	sshll.u32 s1, $0x11  }
0xba: {  	s0 =	sor.u32 s1, s0  }
0xbb: {  	s0 =	sadd.s32 $0x8F2B, s0  }
0xbc: {  	[sflag:s0] =	ssyncadd.remote.s32 $0x1  }
0xbd: {  	_ =	sfence.sel $0xFFFF  }
0xbe: {  	[dreg:$0x0] =	wrdreg $0xFFFFFFFF;
	(pc) =	sbr.abs _section_cstart, $3  }
0xbf: {  	[dreg:$0x1] =	wrdreg $0xFFFFFFFF  }
0xc0: {  	_ =	task.clear_ibuf [dreg:s6], $0x2FFFF;
	_ =	strace $0x9FFFFFFF  }
0xc1: {  	(tm) =	ssettm $0x7FFFFFFF  }
tec
execute0_lowered:
.L_overlay_start_1:
0x0: {  	(tag) =	ssettag $0x1  }
0x1: {  	s1 =	srdreg.scid;
	s0 =	stileid.u32  }
0x2: {  	s4 =	rddreg [dreg:$0x0];
	s3 =	sand.u32 $0x1, s1;
	s30 =	sshll.u32 s0, $0x1  }
0x3: {  	s2 =	simm.s32 $0x0;
	s8 =	simm.s32 $0x0;
	s5 =	sor.u32 s3, s30  }
0x4: {  	s1 =	rddreg [dreg:$0x1];
	s3 =	ssub.s32 $0x2, s3;
	s6 =	smul.u32 $0x280, s5  }
0x5: {  	[smem:$0x7FF] =	sst s2;
	s5 =	smul.u32 $0x500, s5;
	s7 =	sshrl.u32 s3, $0x1  }
0x6: {  	_ =	strace $0x80000047;
	s31 =	ssub.s32 s3, s7;
	s7 =	simm.s32 $0x1400  }
0x7: {  	s6 =	sadd.s32 s6, s4;
	s4 =	sadd.s32 s5, s4;
	s5 =	smax.u32 s31, $0x1  }
0x8: {  	v0 =	vimm.f32 $0.0e+00;
	v1 =	vimm.f32 $1.000000000e+00;
	s3 =	sadd.s32 $0x6C00, s6;
	s4 =	sadd.s32 $0xBC00, s4;
	s6 =	simm.s32 $0x1  }
.LBB2_1:
0x9: {  	s9 =	simm.s32 $0x40;
	s10 =	simm.s32 $0x0  }
.LBB2_2:
0xa: {  	p0 =	sne.s32 s9, $0x9FC0;
	[tilespmem:s10+$0x1400] =	vst v0;
	s10 =	smov.u32 s9;
	s9 =	sadd.s32 $0x40, s9  }
.Ltmp0:
0xb: {  	(pc) =	sbr.rel @p0 .LBB2_2-.Ltmp0, $2  }
0xc: {  	_ =	sdelay $0x2  }
0xd: {  	s10 =	sshra.s32 s10, $0x2  }
0xe: {  	[tilespmem:s10+$0x1400] =	vst v0;
	s9 =	simm.s32 $0x0  }
0xf: {  	[tilespmem:s9], [sflag:$0x1] =	stream.linear.gather [hbm4b:s3+s9], $0x1400, $0x38;
	[tilespmem:$0x3C00] =	vst v63  }
0x10: {  	s31 =	sand.u32 $0x7E00, s9;
	_ =	swait.ge [sflag:s6], $0x1400  }
0x11: {  	s9 =	sand.u32 $0x70, s9;
	s10 =	sshrl.u32 s31, $0x2;
	[sflag:s6] =	ssyncset.done $0x0  }
0x12: {  	s9 =	sor.u32 s9, s10;
	[sflag:s6] =	ssyncadd.s32 $0xFFFFEC00  }
0x13: {  	v2 =	vld [tilespmem:s9+$0x0];
	_ =	sdelay $0x4  }
0x14: {  	s11 =	simm.s32 $0x40  }
0x15: {  	s11 =	sand.u32 $0x7E00, s11;
	s10 =	simm.s32 $0x80;
	s9 =	simm.s32 $0x10  }
.LBB2_4:
0x16: {  	p0 =	sne.s32 s10, $0x4FC0;
	s12 =	sand.u32 $0x70, s9;
	s11 =	sshrl.u32 s11, $0x2  }
0x17: {  	s11 =	sor.u32 s12, s11;
	[tilespmem:v2+s7+$0x0] =	vst.idx.add.f32.msk $0xffff, v1  }
0x18: {  	v2 =	vld [tilespmem:s11+$0x0];
	_ =	sdelay $0x1  }
.Ltmp1:
0x19: {  	(pc) =	sbr.rel @p0 .LBB2_4-.Ltmp1, $2  }
0x1a: {  	_ =	sdelay $0x2  }
0x1b: {  	s9 =	sadd.s32 $0x10, s9;
	s11 =	sand.u32 $0x7E00, s10;
	s10 =	sadd.s32 $0x40, s10  }
0x1c: {  	_ =	sdelay $0x2  }
0x1d: {  	s9 =	sand.u32 $0x70, s9;
	s10 =	sshrl.u32 s11, $0x2  }
0x1e: {  	[tilespmem:v2+s7+$0x0] =	vst.idx.add.f32.msk $0xffff, v1;
	s9 =	sor.u32 s9, s10  }
0x1f: {  	v2 =	vld [tilespmem:s9+$0x0];
	_ =	sdelay $0x5  }
0x20: {  	s8 =	sadd.s32 $0x1, s8  }
0x21: {  	p0 =	sne.s32 s8, s5  }
.Ltmp2:
0x22: {  	[tilespmem:v2+s7+$0x0] =	vst.idx.add.f32.msk $0xffff, v1;
	(pc) =	sbr.rel @p0 .LBB2_1-.Ltmp2, $4  }
0x23: {  	[hbm4b:s4+s2] =	stream.linear.scatter [tilespmem:s7], [sflag:$0x1], $0x2800, $0x38;
	[tilespmem:$0x3C00] =	vst v63  }
0x24: {  	_ =	swait.ge [sflag:s6], $0x2800  }
0x25: {  	[sflag:s6] =	ssyncset.done $0x0  }
0x26: {  	[sflag:s6] =	ssyncadd.s32 $0xFFFFD800  }
0x27: {  	_ =	sfence.sel $0x180000  }
0x28: {  	[bflag:$0x0] =	sbarrier.arrive $0xFFFF  }
0x29: {  	p0 =	sne.s32 s0, $0x0;
	_ =	strace $0x90000047  }
0x2a: {  	s0 =	sadd.s32 @!p0 $0x100000, s1;
	[bflag:$0x2] =	sbarrier.arrive $0xFFFF  }
0x2b: {  	[sflag:s0] =	ssyncadd.tile.s32 @!p0 $0x1;
	_ =	shalt  }
.Lfunc_end2:
_tile_overlayer_lowered:
.L_overlay_start_2:
0x2c: {  	(tag) =	ssettag $0x2  }
0x2d: {  	s0 =	rddreg [dreg:$0x0];
	s2 =	stileid.u32  }
0x2e: {  	s1 =	rddreg [dreg:$0x1];
	p0 =	sne.s32 s2, $0x0  }
0x2f: {  	s3 =	rddreg [dreg:$0x2];
	[bflag:$0x3] =	sbarrier.arrive $0xFFFF;
	s2 =	simm.s32 @!p0 $0x1C01  }
0x30: {  	[timem:s3], [sflag:s2] =	dma.local @!p0 [hbm:s0], s1  }
0x31: {  	s0 =	simm.s32 @!p0 $0x1  }
0x32: {  	_ =	swait.ge @!p0 [sflag:s0], s1  }
0x33: {  	s1 =	ssub.s32 @!p0 $0x0, s1;
	[sflag:s0] =	ssyncset.done @!p0 $0x0  }
0x34: {  	[sflag:s0] =	ssyncadd.s32 @!p0 s1  }
0x35: {  	[bflag:$0x3] =	sbarrier.arrive $0xFFFF  }
0x36: {  	_ =	shalt  }

</sc_bundles>
